<compile_context>
chip_gen: v7x
topology: tpu7x:2x2x1
jax: 0.10.2.dev20260603
libtpu: 0.0.44.dev20260713+nightly
codegen_flags: <defaults>
</compile_context>

<pallas_src>
import functools

import jax
import jax.numpy as jnp
from jax import lax
from jax.experimental import pallas as pl
from jax.experimental.pallas import tpu as pltpu
from jax.experimental.pallas import tpu_sc as plsc

B = 16384
F = 26
V = 100000
D = 32
DENSE = 13
FD = F * D
H1 = 512
H2 = 256

NC = 2
NS = 16
NW = NC * NS
BPW = B // NW
IDX_MINOR = 128
G = BPW // IDX_MINOR
F2 = F // 2


def _sc_gather(tables, idx3d):
    mesh = plsc.VectorSubcoreMesh(core_axis_name="c", subcore_axis_name="s",
                                  num_cores=NC, num_subcores=NS)

    @functools.partial(
        pl.kernel,
        out_type=jax.ShapeDtypeStruct((B, FD), jnp.float32),
        mesh=mesh,
        scratch_types=[
            pltpu.VMEM((G, IDX_MINOR), jnp.int32),
            pltpu.VMEM((G, IDX_MINOR), jnp.int32),
            pltpu.VMEM((BPW, D), jnp.float32),
            pltpu.VMEM((BPW, D), jnp.float32),
            pltpu.SemaphoreType.DMA,
            pltpu.SemaphoreType.DMA,
            pltpu.SemaphoreType.DMA,
            pltpu.SemaphoreType.DMA,
            pltpu.SemaphoreType.DMA,
            pltpu.SemaphoreType.DMA,
        ],
        compiler_params=pltpu.CompilerParams(use_tc_tiling_on_sc=False),
    )
    def gather_kernel(table_hbm, idx_hbm, out_hbm, idx0, idx1, buf0, buf1,
                      isem0, isem1, gsem0, gsem1, osem0, osem1):
        wid = lax.axis_index("s") * NC + lax.axis_index("c")
        b0 = wid * BPW
        ib = wid * G

        idxs = (idx0, idx1)
        bufs = (buf0, buf1)
        isems = (isem0, isem1)
        gsems = (gsem0, gsem1)
        osems = (osem0, osem1)

        def fire_idx(f, slot):
            pltpu.async_copy(idx_hbm.at[f, pl.ds(ib, G)], idxs[slot],
                             isems[slot])

        def wait_idx(f, slot):
            pltpu.make_async_copy(idx_hbm.at[f, pl.ds(ib, G)], idxs[slot],
                                  isems[slot]).wait()

        def fire_gather(f, slot):
            for j in range(G):
                pltpu.async_copy(
                    table_hbm.at[f].at[idxs[slot].at[j]],
                    bufs[slot].at[pl.ds(j * IDX_MINOR, IDX_MINOR)],
                    gsems[slot])

        def wait_gather(f, slot):
            for j in range(G):
                pltpu.make_async_copy(
                    table_hbm.at[f].at[idxs[slot].at[j]],
                    bufs[slot].at[pl.ds(j * IDX_MINOR, IDX_MINOR)],
                    gsems[slot]).wait()

        def fire_out(f, slot):
            pltpu.async_copy(
                bufs[slot],
                out_hbm.at[pl.ds(b0, BPW), pl.ds(f * D, D)], osems[slot])

        def wait_out(f, slot):
            pltpu.make_async_copy(
                bufs[slot],
                out_hbm.at[pl.ds(b0, BPW), pl.ds(f * D, D)],
                osems[slot]).wait()

        fire_idx(0, 0)
        wait_idx(0, 0)
        fire_gather(0, 0)
        fire_idx(1, 1)

        def body(k, carry):
            fa = 2 * k
            fb = fa + 1
            wait_gather(fa, 0)

            @pl.when(k > 0)
            def _():
                wait_out(fa - 1, 1)

            wait_idx(fb, 1)
            fire_gather(fb, 1)
            fire_out(fa, 0)

            @pl.when(k < F2 - 1)
            def _():
                fire_idx(fa + 2, 0)

            wait_gather(fb, 1)
            wait_out(fa, 0)

            @pl.when(k < F2 - 1)
            def _():
                wait_idx(fa + 2, 0)
                fire_gather(fa + 2, 0)
                fire_idx(fa + 3, 1)

            fire_out(fb, 1)
            return carry

        lax.fori_loop(0, F2, body, 0)
        wait_out(F - 1, 1)

    return gather_kernel(tables, idx3d)


def _tc_body(dense_ref, emb_ref, w1a_ref, w1b_ref, b1_ref, w2_ref, b2_ref,
             wout_ref, wfmd_ref, wfme_ref, bias_ref, out_ref):
    x_d = dense_ref[...]
    x_e = emb_ref[...]
    h1 = jnp.dot(x_d, w1a_ref[...], preferred_element_type=jnp.float32)
    h1 = h1 + jnp.dot(x_e, w1b_ref[...], preferred_element_type=jnp.float32)
    h1 = jnp.maximum(h1 + b1_ref[...], 0.0)
    h2 = jnp.dot(h1, w2_ref[...], preferred_element_type=jnp.float32)
    h2 = jnp.maximum(h2 + b2_ref[...], 0.0)
    deep = jnp.sum(h2 * wout_ref[...], axis=1)

    linear = jnp.sum(x_d * wfmd_ref[...], axis=1) + \
        jnp.sum(x_e * wfme_ref[...], axis=1)

    r = lax.broadcasted_iota(jnp.int32, (FD, D), 0)
    c = lax.broadcasted_iota(jnp.int32, (FD, D), 1)
    A = jnp.where(lax.rem(r, D) == c, 1.0, 0.0)
    s = jnp.dot(x_e, A, preferred_element_type=jnp.float32)
    inter = 0.5 * (jnp.sum(s * s, axis=1) - jnp.sum(x_e * x_e, axis=1))

    z = linear + inter + deep + bias_ref[0]
    out_ref[...] = jax.nn.sigmoid(z)


def _tc_dense(dense, emb2d, w1a, w1b, b1r, w2, b2r, woutr, wfmd, wfme, biasr,
              bb):
    grid = (B // bb,)
    return pl.pallas_call(
        _tc_body,
        grid=grid,
        in_specs=[
            pl.BlockSpec((bb, DENSE), lambda i: (i, 0)),
            pl.BlockSpec((bb, FD), lambda i: (i, 0)),
            pl.BlockSpec((DENSE, H1), lambda i: (0, 0)),
            pl.BlockSpec((FD, H1), lambda i: (0, 0)),
            pl.BlockSpec((1, H1), lambda i: (0, 0)),
            pl.BlockSpec((H1, H2), lambda i: (0, 0)),
            pl.BlockSpec((1, H2), lambda i: (0, 0)),
            pl.BlockSpec((1, H2), lambda i: (0, 0)),
            pl.BlockSpec((1, DENSE), lambda i: (0, 0)),
            pl.BlockSpec((1, FD), lambda i: (0, 0)),
            pl.BlockSpec((1, 1), lambda i: (0, 0)),
        ],
        out_specs=pl.BlockSpec((bb,), lambda i: (i,)),
        out_shape=jax.ShapeDtypeStruct((B,), jnp.float32),
    )(dense, emb2d, w1a, w1b, b1r, w2, b2r, woutr, wfmd, wfme, biasr)


def kernel(dense, sparse, tables, W_fm, b_fm, W1, b1, W2, b2, Wout, bout):
    idx3d = sparse.T.reshape(F, B // IDX_MINOR, IDX_MINOR)

    emb2d = _sc_gather(tables, idx3d)

    w1a = W1[:DENSE]
    w1b = W1[DENSE:]
    b1r = b1.reshape(1, H1)
    b2r = b2.reshape(1, H2)
    woutr = Wout.reshape(1, H2)
    wfmd = W_fm[:DENSE].reshape(1, DENSE)
    wfme = W_fm[DENSE:].reshape(1, FD)
    biasr = (b_fm + bout).reshape(1, 1)

    return _tc_dense(dense, emb2d, w1a, w1b, b1r, W2, b2r, woutr, wfmd, wfme,
                     biasr, 512)

# --- scband reference (transcript-rebuilt; emitter-appended) ---
"""Pipeline reference for scband-deep-fm-30494267801777 (READ-ONLY COPY).

The authoritative reference and input builder live on the scoring server;
editing this copy changes nothing except your own understanding.
"""

import jax, jax.numpy as jnp
import numpy as np

B = 16384
F = 26
V = 100000
D = 32
DENSE = 13
CONCAT = DENSE + F * D  # 845
H1 = 512
H2 = 256


def setup_inputs(seed: int = 0) -> dict:
    key = jax.random.key(seed)
    ks = jax.random.split(key, 12)
    dense = jax.random.normal(ks[0], (B, DENSE), dtype=jnp.float32)
    sparse = jax.random.randint(ks[1], (B, F), 0, V, dtype=jnp.int32)
    # embedding tables: 26 tables of [V, D], uniform(-0.05, 0.05) as in torch init
    tables = jax.random.uniform(ks[2], (F, V, D), dtype=jnp.float32, minval=-0.05, maxval=0.05)
    # FM linear part: torch Linear(concat_dim, 1), xavier_normal weight, zero bias
    W_fm = jax.random.normal(ks[3], (CONCAT, 1), dtype=jnp.float32) * np.sqrt(2.0 / (CONCAT + 1))
    b_fm = jnp.zeros((1,), dtype=jnp.float32)
    # DNN: 845 -> 512 -> 256 -> 1
    W1 = jax.random.normal(ks[4], (CONCAT, H1), dtype=jnp.float32) * np.sqrt(2.0 / (CONCAT + H1))
    b1 = jnp.zeros((H1,), dtype=jnp.float32)
    W2 = jax.random.normal(ks[5], (H1, H2), dtype=jnp.float32) * np.sqrt(2.0 / (H1 + H2))
    b2 = jnp.zeros((H2,), dtype=jnp.float32)
    Wout = jax.random.normal(ks[6], (H2, 1), dtype=jnp.float32) * np.sqrt(2.0 / (H2 + 1))
    bout = jnp.zeros((1,), dtype=jnp.float32)
    return {"dense": dense, "sparse": sparse, "tables": tables,
            "W_fm": W_fm, "b_fm": b_fm, "W1": W1, "b1": b1,
            "W2": W2, "b2": b2, "Wout": Wout, "bout": bout}


def reference(dense, sparse, tables, W_fm, b_fm, W1, b1, W2, b2, Wout, bout):
    # EmbedLayer: per-field embedding lookup, stacked -> [B, F, D]
    field_idx = jnp.arange(F)[None, :]  # [1, F]
    sparse_embed = tables[field_idx, sparse]  # gather -> [B, F, D]
    batch = dense.shape[0]
    stack = jnp.concatenate([dense, sparse_embed.reshape(batch, -1)], axis=-1)  # [B, CONCAT]
    # FMLayer
    linear_part = stack @ W_fm + b_fm  # [B, 1]
    inter_part = jnp.square(jnp.sum(sparse_embed, axis=1)) - jnp.sum(jnp.square(sparse_embed), axis=1)  # [B, D]
    inter_part = 0.5 * jnp.sum(inter_part, axis=-1, keepdims=True)  # [B, 1]
    fm_output = linear_part + inter_part
    # DNN (dropout p=0.0 -> identity)
    h = jax.nn.relu(stack @ W1 + b1)
    h = jax.nn.relu(h @ W2 + b2)
    deep_output = h @ Wout + bout  # [B, 1]
    output = jax.nn.sigmoid(fm_output + deep_output).squeeze(-1)  # [B]
    return output

if __name__ == "__main__":
    import jax
    _d = setup_inputs()
    print(jax.jit(kernel)(*tuple(_d.values())))

</pallas_src>

<mosaic_0001>
#map = affine_map<(d0, d1) -> (0, 0, 0)>
#map1 = affine_map<(d0, d1) -> (0, 0)>
module attributes {stable_mosaic.version = 14 : i64} {
  func.func @gather_kernel(%arg0: i32, %arg1: i32, %arg2: memref<26x100000x32xf32, #tpu.memory_space<hbm>>, %arg3: memref<26x128x128xi32, #tpu.memory_space<hbm>>, %arg4: memref<16384x832xf32, #tpu.memory_space<hbm>>, %arg5: memref<4x128xi32, #tpu.memory_space<vmem>>, %arg6: memref<4x128xi32, #tpu.memory_space<vmem>>, %arg7: memref<512x32xf32, #tpu.memory_space<vmem>>, %arg8: memref<512x32xf32, #tpu.memory_space<vmem>>, %arg9: memref<!tpu.dma_semaphore, #tpu.memory_space<semaphore_mem>>, %arg10: memref<!tpu.dma_semaphore, #tpu.memory_space<semaphore_mem>>, %arg11: memref<!tpu.dma_semaphore, #tpu.memory_space<semaphore_mem>>, %arg12: memref<!tpu.dma_semaphore, #tpu.memory_space<semaphore_mem>>, %arg13: memref<!tpu.dma_semaphore, #tpu.memory_space<semaphore_mem>>, %arg14: memref<!tpu.dma_semaphore, #tpu.memory_space<semaphore_mem>>) attributes {dimension_semantics = [#tpu.dimension_semantics<core_parallel>, #tpu.dimension_semantics<subcore_parallel>], iteration_bounds = array<i64: 2, 16>, scalar_prefetch = 0 : i64, scratch_operands = 10 : i64, tpu.core_type = #tpu.core_type<sc_vector_subcore>, window_params = [{transform_indices = #map}, {transform_indices = #map}, {transform_indices = #map1}]} {
    %mul3A = arith.constant 2 : i32
    %mul3A_0 = arith.muli %arg1, %mul3A : i32
    %add3A = arith.addi %mul3A_0, %arg0 : i32
    %mul3A_1 = arith.constant 512 : i32
    %mul3A_2 = arith.muli %add3A, %mul3A_1 : i32
    %mul3A_3 = arith.constant 4 : i32
    %mul3A_4 = arith.muli %add3A, %mul3A_3 : i32
    %dma_start3A = arith.constant 0 : i32
    %dma_start3A_5 = arith.constant 0 : i32
    %dma_start3A_6 = tpu.memref_slice %arg3[%dma_start3A, %mul3A_4, %dma_start3A_5] : memref<26x128x128xi32, #tpu.memory_space<hbm>> -> memref<1x4x128xi32, #tpu.memory_space<hbm>>
    %dma_start3A_7 = tpu.memref_squeeze %dma_start3A_6 : memref<1x4x128xi32, #tpu.memory_space<hbm>> -> memref<4x128xi32, #tpu.memory_space<hbm>>
    %dma_start3A_8 = arith.constant 0 : i32
    %dma_start3A_9 = tpu.memref_slice %arg3[%dma_start3A, %mul3A_4, %dma_start3A_8] : memref<26x128x128xi32, #tpu.memory_space<hbm>> -> memref<1x4x128xi32, #tpu.memory_space<hbm>>
    %dma_start3A_10 = tpu.memref_squeeze %dma_start3A_9 : memref<1x4x128xi32, #tpu.memory_space<hbm>> -> memref<4x128xi32, #tpu.memory_space<hbm>>
    tpu.enqueue_dma source(%dma_start3A_10 : memref<4x128xi32, #tpu.memory_space<hbm>>) target(%arg5 : memref<4x128xi32, #tpu.memory_space<vmem>>) target_semaphore(%arg9 : memref<!tpu.dma_semaphore, #tpu.memory_space<semaphore_mem>>)
    %dma_wait3A = arith.constant 0 : i32
    %dma_wait3A_11 = arith.constant 0 : i32
    %dma_wait3A_12 = tpu.memref_slice %arg3[%dma_wait3A, %mul3A_4, %dma_wait3A_11] : memref<26x128x128xi32, #tpu.memory_space<hbm>> -> memref<1x4x128xi32, #tpu.memory_space<hbm>>
    %dma_wait3A_13 = tpu.memref_squeeze %dma_wait3A_12 : memref<1x4x128xi32, #tpu.memory_space<hbm>> -> memref<4x128xi32, #tpu.memory_space<hbm>>
    %dma_wait3A_14 = arith.constant 0 : i32
    %dma_wait3A_15 = tpu.memref_slice %arg3[%dma_wait3A, %mul3A_4, %dma_wait3A_14] : memref<26x128x128xi32, #tpu.memory_space<hbm>> -> memref<1x4x128xi32, #tpu.memory_space<hbm>>
    %dma_wait3A_16 = tpu.memref_squeeze %dma_wait3A_15 : memref<1x4x128xi32, #tpu.memory_space<hbm>> -> memref<4x128xi32, #tpu.memory_space<hbm>>
    tpu.wait_dma2 semaphore(%arg9 : memref<!tpu.dma_semaphore, #tpu.memory_space<semaphore_mem>>) src(%dma_wait3A_16 : memref<4x128xi32, #tpu.memory_space<hbm>>) dst(%arg5 : memref<4x128xi32, #tpu.memory_space<vmem>>)
    %dma_start3A_17 = arith.constant 0 : i32
    %dma_start3A_18 = arith.constant 0 : i32
    %dma_start3A_19 = arith.constant 0 : i32
    %dma_start3A_20 = arith.constant 0 : i32
    %dma_start3A_21 = tpu.memref_slice %arg7[%dma_start3A_19, %dma_start3A_20] : memref<512x32xf32, #tpu.memory_space<vmem>> -> memref<128x32xf32, #tpu.memory_space<vmem>>
    %dma_start3A_22 = arith.constant 0 : i32
    %dma_start3A_23 = tpu.memref_slice %arg5[%dma_start3A_18, %dma_start3A_22] : memref<4x128xi32, #tpu.memory_space<vmem>> -> memref<1x128xi32, #tpu.memory_space<vmem>>
    %dma_start3A_24 = tpu.memref_squeeze %dma_start3A_23 : memref<1x128xi32, #tpu.memory_space<vmem>> -> memref<128xi32, #tpu.memory_space<vmem>>
    %dma_start3A_25 = arith.constant 0 : i32
    %dma_start3A_26 = arith.constant 0 : i32
    %dma_start3A_27 = tpu.memref_slice %arg2[%dma_start3A_17, %dma_start3A_25, %dma_start3A_26] : memref<26x100000x32xf32, #tpu.memory_space<hbm>> -> memref<1x100000x32xf32, #tpu.memory_space<hbm>>
    %dma_start3A_28 = tpu.memref_squeeze %dma_start3A_27 : memref<1x100000x32xf32, #tpu.memory_space<hbm>> -> memref<100000x32xf32, #tpu.memory_space<hbm>>
    %dma_start3A_29 = arith.constant 0 : i32
    %dma_start3A_30 = arith.constant 0 : i32
    %dma_start3A_31 = tpu.memref_slice %dma_start3A_28[%dma_start3A_29, %dma_start3A_30] : memref<100000x32xf32, #tpu.memory_space<hbm>> -> memref<100000x32xf32, #tpu.memory_space<hbm>>
    tpu.enqueue_indirect_dma source(%dma_start3A_31 : memref<100000x32xf32, #tpu.memory_space<hbm>>) target(%dma_start3A_21 : memref<128x32xf32, #tpu.memory_space<vmem>>) offsets(%dma_start3A_24 : memref<128xi32, #tpu.memory_space<vmem>>) semaphore(%arg11 : memref<!tpu.dma_semaphore, #tpu.memory_space<semaphore_mem>>)
    %dma_start3A_32 = arith.constant 0 : i32
    %dma_start3A_33 = arith.constant 1 : i32
    %dma_start3A_34 = arith.constant 128 : i32
    %dma_start3A_35 = arith.constant 0 : i32
    %dma_start3A_36 = tpu.memref_slice %arg7[%dma_start3A_34, %dma_start3A_35] : memref<512x32xf32, #tpu.memory_space<vmem>> -> memref<128x32xf32, #tpu.memory_space<vmem>>
    %dma_start3A_37 = arith.constant 0 : i32
    %dma_start3A_38 = tpu.memref_slice %arg5[%dma_start3A_33, %dma_start3A_37] : memref<4x128xi32, #tpu.memory_space<vmem>> -> memref<1x128xi32, #tpu.memory_space<vmem>>
    %dma_start3A_39 = tpu.memref_squeeze %dma_start3A_38 : memref<1x128xi32, #tpu.memory_space<vmem>> -> memref<128xi32, #tpu.memory_space<vmem>>
    %dma_start3A_40 = arith.constant 0 : i32
    %dma_start3A_41 = arith.constant 0 : i32
    %dma_start3A_42 = tpu.memref_slice %arg2[%dma_start3A_32, %dma_start3A_40, %dma_start3A_41] : memref<26x100000x32xf32, #tpu.memory_space<hbm>> -> memref<1x100000x32xf32, #tpu.memory_space<hbm>>
    %dma_start3A_43 = tpu.memref_squeeze %dma_start3A_42 : memref<1x100000x32xf32, #tpu.memory_space<hbm>> -> memref<100000x32xf32, #tpu.memory_space<hbm>>
    %dma_start3A_44 = arith.constant 0 : i32
    %dma_start3A_45 = arith.constant 0 : i32
    %dma_start3A_46 = tpu.memref_slice %dma_start3A_43[%dma_start3A_44, %dma_start3A_45] : memref<100000x32xf32, #tpu.memory_space<hbm>> -> memref<100000x32xf32, #tpu.memory_space<hbm>>
    tpu.enqueue_indirect_dma source(%dma_start3A_46 : memref<100000x32xf32, #tpu.memory_space<hbm>>) target(%dma_start3A_36 : memref<128x32xf32, #tpu.memory_space<vmem>>) offsets(%dma_start3A_39 : memref<128xi32, #tpu.memory_space<vmem>>) semaphore(%arg11 : memref<!tpu.dma_semaphore, #tpu.memory_space<semaphore_mem>>)
    %dma_start3A_47 = arith.constant 0 : i32
    %dma_start3A_48 = arith.constant 2 : i32
    %dma_start3A_49 = arith.constant 256 : i32
    %dma_start3A_50 = arith.constant 0 : i32
    %dma_start3A_51 = tpu.memref_slice %arg7[%dma_start3A_49, %dma_start3A_50] : memref<512x32xf32, #tpu.memory_space<vmem>> -> memref<128x32xf32, #tpu.memory_space<vmem>>
    %dma_start3A_52 = arith.constant 0 : i32
    %dma_start3A_53 = tpu.memref_slice %arg5[%dma_start3A_48, %dma_start3A_52] : memref<4x128xi32, #tpu.memory_space<vmem>> -> memref<1x128xi32, #tpu.memory_space<vmem>>
    %dma_start3A_54 = tpu.memref_squeeze %dma_start3A_53 : memref<1x128xi32, #tpu.memory_space<vmem>> -> memref<128xi32, #tpu.memory_space<vmem>>
    %dma_start3A_55 = arith.constant 0 : i32
    %dma_start3A_56 = arith.constant 0 : i32
    %dma_start3A_57 = tpu.memref_slice %arg2[%dma_start3A_47, %dma_start3A_55, %dma_start3A_56] : memref<26x100000x32xf32, #tpu.memory_space<hbm>> -> memref<1x100000x32xf32, #tpu.memory_space<hbm>>
    %dma_start3A_58 = tpu.memref_squeeze %dma_start3A_57 : memref<1x100000x32xf32, #tpu.memory_space<hbm>> -> memref<100000x32xf32, #tpu.memory_space<hbm>>
    %dma_start3A_59 = arith.constant 0 : i32
    %dma_start3A_60 = arith.constant 0 : i32
    %dma_start3A_61 = tpu.memref_slice %dma_start3A_58[%dma_start3A_59, %dma_start3A_60] : memref<100000x32xf32, #tpu.memory_space<hbm>> -> memref<100000x32xf32, #tpu.memory_space<hbm>>
    tpu.enqueue_indirect_dma source(%dma_start3A_61 : memref<100000x32xf32, #tpu.memory_space<hbm>>) target(%dma_start3A_51 : memref<128x32xf32, #tpu.memory_space<vmem>>) offsets(%dma_start3A_54 : memref<128xi32, #tpu.memory_space<vmem>>) semaphore(%arg11 : memref<!tpu.dma_semaphore, #tpu.memory_space<semaphore_mem>>)
    %dma_start3A_62 = arith.constant 0 : i32
    %dma_start3A_63 = arith.constant 3 : i32
    %dma_start3A_64 = arith.constant 384 : i32
    %dma_start3A_65 = arith.constant 0 : i32
    %dma_start3A_66 = tpu.memref_slice %arg7[%dma_start3A_64, %dma_start3A_65] : memref<512x32xf32, #tpu.memory_space<vmem>> -> memref<128x32xf32, #tpu.memory_space<vmem>>
    %dma_start3A_67 = arith.constant 0 : i32
    %dma_start3A_68 = tpu.memref_slice %arg5[%dma_start3A_63, %dma_start3A_67] : memref<4x128xi32, #tpu.memory_space<vmem>> -> memref<1x128xi32, #tpu.memory_space<vmem>>
    %dma_start3A_69 = tpu.memref_squeeze %dma_start3A_68 : memref<1x128xi32, #tpu.memory_space<vmem>> -> memref<128xi32, #tpu.memory_space<vmem>>
    %dma_start3A_70 = arith.constant 0 : i32
    %dma_start3A_71 = arith.constant 0 : i32
    %dma_start3A_72 = tpu.memref_slice %arg2[%dma_start3A_62, %dma_start3A_70, %dma_start3A_71] : memref<26x100000x32xf32, #tpu.memory_space<hbm>> -> memref<1x100000x32xf32, #tpu.memory_space<hbm>>
    %dma_start3A_73 = tpu.memref_squeeze %dma_start3A_72 : memref<1x100000x32xf32, #tpu.memory_space<hbm>> -> memref<100000x32xf32, #tpu.memory_space<hbm>>
    %dma_start3A_74 = arith.constant 0 : i32
    %dma_start3A_75 = arith.constant 0 : i32
    %dma_start3A_76 = tpu.memref_slice %dma_start3A_73[%dma_start3A_74, %dma_start3A_75] : memref<100000x32xf32, #tpu.memory_space<hbm>> -> memref<100000x32xf32, #tpu.memory_space<hbm>>
    tpu.enqueue_indirect_dma source(%dma_start3A_76 : memref<100000x32xf32, #tpu.memory_space<hbm>>) target(%dma_start3A_66 : memref<128x32xf32, #tpu.memory_space<vmem>>) offsets(%dma_start3A_69 : memref<128xi32, #tpu.memory_space<vmem>>) semaphore(%arg11 : memref<!tpu.dma_semaphore, #tpu.memory_space<semaphore_mem>>)
    %dma_start3A_77 = arith.constant 1 : i32
    %dma_start3A_78 = arith.constant 0 : i32
    %dma_start3A_79 = tpu.memref_slice %arg3[%dma_start3A_77, %mul3A_4, %dma_start3A_78] : memref<26x128x128xi32, #tpu.memory_space<hbm>> -> memref<1x4x128xi32, #tpu.memory_space<hbm>>
    %dma_start3A_80 = tpu.memref_squeeze %dma_start3A_79 : memref<1x4x128xi32, #tpu.memory_space<hbm>> -> memref<4x128xi32, #tpu.memory_space<hbm>>
    %dma_start3A_81 = arith.constant 0 : i32
    %dma_start3A_82 = tpu.memref_slice %arg3[%dma_start3A_77, %mul3A_4, %dma_start3A_81] : memref<26x128x128xi32, #tpu.memory_space<hbm>> -> memref<1x4x128xi32, #tpu.memory_space<hbm>>
    %dma_start3A_83 = tpu.memref_squeeze %dma_start3A_82 : memref<1x4x128xi32, #tpu.memory_space<hbm>> -> memref<4x128xi32, #tpu.memory_space<hbm>>
    tpu.enqueue_dma source(%dma_start3A_83 : memref<4x128xi32, #tpu.memory_space<hbm>>) target(%arg6 : memref<4x128xi32, #tpu.memory_space<vmem>>) target_semaphore(%arg10 : memref<!tpu.dma_semaphore, #tpu.memory_space<semaphore_mem>>)
    %scan3A = arith.constant 0 : i32
    %scan3A_84 = arith.constant 0 : i32
    %scan3A_85 = arith.constant 13 : i32
    %scan3A_86 = arith.addi %scan3A_84, %scan3A_85 : i32
    %scan3A_87 = arith.constant 1 : i32
    scf.for %scan3A_93 = %scan3A_84 to %scan3A_86 step %scan3A_87  : i32 {
      %mul3A_94 = arith.constant 2 : i32
      %mul3A_95 = arith.muli %mul3A_94, %scan3A_93 : i32
      %add3A_96 = arith.constant 1 : i32
      %add3A_97 = arith.addi %mul3A_95, %add3A_96 : i32
      %dma_wait3A_98 = arith.constant 0 : i32
      %dma_wait3A_99 = arith.constant 0 : i32
      %dma_wait3A_100 = arith.constant 0 : i32
      %dma_wait3A_101 = tpu.memref_slice %arg7[%dma_wait3A_99, %dma_wait3A_100] : memref<512x32xf32, #tpu.memory_space<vmem>> -> memref<128x32xf32, #tpu.memory_space<vmem>>
      %dma_wait3A_102 = arith.constant 0 : i32
      %dma_wait3A_103 = tpu.memref_slice %arg5[%dma_wait3A_98, %dma_wait3A_102] : memref<4x128xi32, #tpu.memory_space<vmem>> -> memref<1x128xi32, #tpu.memory_space<vmem>>
      %dma_wait3A_104 = tpu.memref_squeeze %dma_wait3A_103 : memref<1x128xi32, #tpu.memory_space<vmem>> -> memref<128xi32, #tpu.memory_space<vmem>>
      %dma_wait3A_105 = arith.constant 0 : i32
      %dma_wait3A_106 = arith.constant 0 : i32
      %dma_wait3A_107 = tpu.memref_slice %arg2[%mul3A_95, %dma_wait3A_105, %dma_wait3A_106] : memref<26x100000x32xf32, #tpu.memory_space<hbm>> -> memref<1x100000x32xf32, #tpu.memory_space<hbm>>
      %dma_wait3A_108 = tpu.memref_squeeze %dma_wait3A_107 : memref<1x100000x32xf32, #tpu.memory_space<hbm>> -> memref<100000x32xf32, #tpu.memory_space<hbm>>
      %dma_wait3A_109 = arith.constant 0 : i32
      %dma_wait3A_110 = arith.constant 0 : i32
      %dma_wait3A_111 = tpu.memref_slice %dma_wait3A_108[%dma_wait3A_109, %dma_wait3A_110] : memref<100000x32xf32, #tpu.memory_space<hbm>> -> memref<100000x32xf32, #tpu.memory_space<hbm>>
      tpu.wait_indirect_dma semaphore(%arg11 : memref<!tpu.dma_semaphore, #tpu.memory_space<semaphore_mem>>) src(%dma_wait3A_111 : memref<100000x32xf32, #tpu.memory_space<hbm>>) dst(%dma_wait3A_101 : memref<128x32xf32, #tpu.memory_space<vmem>>)
      %dma_wait3A_112 = arith.constant 1 : i32
      %dma_wait3A_113 = arith.constant 128 : i32
      %dma_wait3A_114 = arith.constant 0 : i32
      %dma_wait3A_115 = tpu.memref_slice %arg7[%dma_wait3A_113, %dma_wait3A_114] : memref<512x32xf32, #tpu.memory_space<vmem>> -> memref<128x32xf32, #tpu.memory_space<vmem>>
      %dma_wait3A_116 = arith.constant 0 : i32
      %dma_wait3A_117 = tpu.memref_slice %arg5[%dma_wait3A_112, %dma_wait3A_116] : memref<4x128xi32, #tpu.memory_space<vmem>> -> memref<1x128xi32, #tpu.memory_space<vmem>>
      %dma_wait3A_118 = tpu.memref_squeeze %dma_wait3A_117 : memref<1x128xi32, #tpu.memory_space<vmem>> -> memref<128xi32, #tpu.memory_space<vmem>>
      %dma_wait3A_119 = arith.constant 0 : i32
      %dma_wait3A_120 = arith.constant 0 : i32
      %dma_wait3A_121 = tpu.memref_slice %arg2[%mul3A_95, %dma_wait3A_119, %dma_wait3A_120] : memref<26x100000x32xf32, #tpu.memory_space<hbm>> -> memref<1x100000x32xf32, #tpu.memory_space<hbm>>
      %dma_wait3A_122 = tpu.memref_squeeze %dma_wait3A_121 : memref<1x100000x32xf32, #tpu.memory_space<hbm>> -> memref<100000x32xf32, #tpu.memory_space<hbm>>
      %dma_wait3A_123 = arith.constant 0 : i32
      %dma_wait3A_124 = arith.constant 0 : i32
      %dma_wait3A_125 = tpu.memref_slice %dma_wait3A_122[%dma_wait3A_123, %dma_wait3A_124] : memref<100000x32xf32, #tpu.memory_space<hbm>> -> memref<100000x32xf32, #tpu.memory_space<hbm>>
      tpu.wait_indirect_dma semaphore(%arg11 : memref<!tpu.dma_semaphore, #tpu.memory_space<semaphore_mem>>) src(%dma_wait3A_125 : memref<100000x32xf32, #tpu.memory_space<hbm>>) dst(%dma_wait3A_115 : memref<128x32xf32, #tpu.memory_space<vmem>>)
      %dma_wait3A_126 = arith.constant 2 : i32
      %dma_wait3A_127 = arith.constant 256 : i32
      %dma_wait3A_128 = arith.constant 0 : i32
      %dma_wait3A_129 = tpu.memref_slice %arg7[%dma_wait3A_127, %dma_wait3A_128] : memref<512x32xf32, #tpu.memory_space<vmem>> -> memref<128x32xf32, #tpu.memory_space<vmem>>
      %dma_wait3A_130 = arith.constant 0 : i32
      %dma_wait3A_131 = tpu.memref_slice %arg5[%dma_wait3A_126, %dma_wait3A_130] : memref<4x128xi32, #tpu.memory_space<vmem>> -> memref<1x128xi32, #tpu.memory_space<vmem>>
      %dma_wait3A_132 = tpu.memref_squeeze %dma_wait3A_131 : memref<1x128xi32, #tpu.memory_space<vmem>> -> memref<128xi32, #tpu.memory_space<vmem>>
      %dma_wait3A_133 = arith.constant 0 : i32
      %dma_wait3A_134 = arith.constant 0 : i32
      %dma_wait3A_135 = tpu.memref_slice %arg2[%mul3A_95, %dma_wait3A_133, %dma_wait3A_134] : memref<26x100000x32xf32, #tpu.memory_space<hbm>> -> memref<1x100000x32xf32, #tpu.memory_space<hbm>>
      %dma_wait3A_136 = tpu.memref_squeeze %dma_wait3A_135 : memref<1x100000x32xf32, #tpu.memory_space<hbm>> -> memref<100000x32xf32, #tpu.memory_space<hbm>>
      %dma_wait3A_137 = arith.constant 0 : i32
      %dma_wait3A_138 = arith.constant 0 : i32
      %dma_wait3A_139 = tpu.memref_slice %dma_wait3A_136[%dma_wait3A_137, %dma_wait3A_138] : memref<100000x32xf32, #tpu.memory_space<hbm>> -> memref<100000x32xf32, #tpu.memory_space<hbm>>
      tpu.wait_indirect_dma semaphore(%arg11 : memref<!tpu.dma_semaphore, #tpu.memory_space<semaphore_mem>>) src(%dma_wait3A_139 : memref<100000x32xf32, #tpu.memory_space<hbm>>) dst(%dma_wait3A_129 : memref<128x32xf32, #tpu.memory_space<vmem>>)
      %dma_wait3A_140 = arith.constant 3 : i32
      %dma_wait3A_141 = arith.constant 384 : i32
      %dma_wait3A_142 = arith.constant 0 : i32
      %dma_wait3A_143 = tpu.memref_slice %arg7[%dma_wait3A_141, %dma_wait3A_142] : memref<512x32xf32, #tpu.memory_space<vmem>> -> memref<128x32xf32, #tpu.memory_space<vmem>>
      %dma_wait3A_144 = arith.constant 0 : i32
      %dma_wait3A_145 = tpu.memref_slice %arg5[%dma_wait3A_140, %dma_wait3A_144] : memref<4x128xi32, #tpu.memory_space<vmem>> -> memref<1x128xi32, #tpu.memory_space<vmem>>
      %dma_wait3A_146 = tpu.memref_squeeze %dma_wait3A_145 : memref<1x128xi32, #tpu.memory_space<vmem>> -> memref<128xi32, #tpu.memory_space<vmem>>
      %dma_wait3A_147 = arith.constant 0 : i32
      %dma_wait3A_148 = arith.constant 0 : i32
      %dma_wait3A_149 = tpu.memref_slice %arg2[%mul3A_95, %dma_wait3A_147, %dma_wait3A_148] : memref<26x100000x32xf32, #tpu.memory_space<hbm>> -> memref<1x100000x32xf32, #tpu.memory_space<hbm>>
      %dma_wait3A_150 = tpu.memref_squeeze %dma_wait3A_149 : memref<1x100000x32xf32, #tpu.memory_space<hbm>> -> memref<100000x32xf32, #tpu.memory_space<hbm>>
      %dma_wait3A_151 = arith.constant 0 : i32
      %dma_wait3A_152 = arith.constant 0 : i32
      %dma_wait3A_153 = tpu.memref_slice %dma_wait3A_150[%dma_wait3A_151, %dma_wait3A_152] : memref<100000x32xf32, #tpu.memory_space<hbm>> -> memref<100000x32xf32, #tpu.memory_space<hbm>>
      tpu.wait_indirect_dma semaphore(%arg11 : memref<!tpu.dma_semaphore, #tpu.memory_space<semaphore_mem>>) src(%dma_wait3A_153 : memref<100000x32xf32, #tpu.memory_space<hbm>>) dst(%dma_wait3A_143 : memref<128x32xf32, #tpu.memory_space<vmem>>)
      %gt3A = arith.constant 0 : i32
      %gt3A_154 = arith.cmpi sgt, %scan3A_93, %gt3A : i32
      %convert_element_type3A = arith.extui %gt3A_154 : i1 to i32
      %cond3A = arith.constant 0 : i32
      %cond3A_155 = arith.cmpi ne, %convert_element_type3A, %cond3A : i32
      scf.if %cond3A_155 {
        %sub3A = arith.constant 1 : i32
        %sub3A_295 = arith.subi %mul3A_95, %sub3A : i32
        %mul3A_296 = arith.constant 32 : i32
        %mul3A_297 = arith.muli %sub3A_295, %mul3A_296 : i32
        %dma_wait3A_298 = tpu.memref_slice %arg4[%mul3A_2, %mul3A_297] : memref<16384x832xf32, #tpu.memory_space<hbm>> -> memref<512x32xf32, #tpu.memory_space<hbm>>
        %dma_wait3A_299 = tpu.memref_slice %arg4[%mul3A_2, %mul3A_297] : memref<16384x832xf32, #tpu.memory_space<hbm>> -> memref<512x32xf32, #tpu.memory_space<hbm>>
        tpu.wait_dma2 semaphore(%arg14 : memref<!tpu.dma_semaphore, #tpu.memory_space<semaphore_mem>>) src(%arg8 : memref<512x32xf32, #tpu.memory_space<vmem>>) dst(%dma_wait3A_299 : memref<512x32xf32, #tpu.memory_space<hbm>>)
      } else {
      }
      %dma_wait3A_156 = arith.constant 0 : i32
      %dma_wait3A_157 = tpu.memref_slice %arg3[%add3A_97, %mul3A_4, %dma_wait3A_156] : memref<26x128x128xi32, #tpu.memory_space<hbm>> -> memref<1x4x128xi32, #tpu.memory_space<hbm>>
      %dma_wait3A_158 = tpu.memref_squeeze %dma_wait3A_157 : memref<1x4x128xi32, #tpu.memory_space<hbm>> -> memref<4x128xi32, #tpu.memory_space<hbm>>
      %dma_wait3A_159 = arith.constant 0 : i32
      %dma_wait3A_160 = tpu.memref_slice %arg3[%add3A_97, %mul3A_4, %dma_wait3A_159] : memref<26x128x128xi32, #tpu.memory_space<hbm>> -> memref<1x4x128xi32, #tpu.memory_space<hbm>>
      %dma_wait3A_161 = tpu.memref_squeeze %dma_wait3A_160 : memref<1x4x128xi32, #tpu.memory_space<hbm>> -> memref<4x128xi32, #tpu.memory_space<hbm>>
      tpu.wait_dma2 semaphore(%arg10 : memref<!tpu.dma_semaphore, #tpu.memory_space<semaphore_mem>>) src(%dma_wait3A_161 : memref<4x128xi32, #tpu.memory_space<hbm>>) dst(%arg6 : memref<4x128xi32, #tpu.memory_space<vmem>>)
      %dma_start3A_162 = arith.constant 0 : i32
      %dma_start3A_163 = arith.constant 0 : i32
      %dma_start3A_164 = arith.constant 0 : i32
      %dma_start3A_165 = tpu.memref_slice %arg8[%dma_start3A_163, %dma_start3A_164] : memref<512x32xf32, #tpu.memory_space<vmem>> -> memref<128x32xf32, #tpu.memory_space<vmem>>
      %dma_start3A_166 = arith.constant 0 : i32
      %dma_start3A_167 = tpu.memref_slice %arg6[%dma_start3A_162, %dma_start3A_166] : memref<4x128xi32, #tpu.memory_space<vmem>> -> memref<1x128xi32, #tpu.memory_space<vmem>>
      %dma_start3A_168 = tpu.memref_squeeze %dma_start3A_167 : memref<1x128xi32, #tpu.memory_space<vmem>> -> memref<128xi32, #tpu.memory_space<vmem>>
      %dma_start3A_169 = arith.constant 0 : i32
      %dma_start3A_170 = arith.constant 0 : i32
      %dma_start3A_171 = tpu.memref_slice %arg2[%add3A_97, %dma_start3A_169, %dma_start3A_170] : memref<26x100000x32xf32, #tpu.memory_space<hbm>> -> memref<1x100000x32xf32, #tpu.memory_space<hbm>>
      %dma_start3A_172 = tpu.memref_squeeze %dma_start3A_171 : memref<1x100000x32xf32, #tpu.memory_space<hbm>> -> memref<100000x32xf32, #tpu.memory_space<hbm>>
      %dma_start3A_173 = arith.constant 0 : i32
      %dma_start3A_174 = arith.constant 0 : i32
      %dma_start3A_175 = tpu.memref_slice %dma_start3A_172[%dma_start3A_173, %dma_start3A_174] : memref<100000x32xf32, #tpu.memory_space<hbm>> -> memref<100000x32xf32, #tpu.memory_space<hbm>>
      tpu.enqueue_indirect_dma source(%dma_start3A_175 : memref<100000x32xf32, #tpu.memory_space<hbm>>) target(%dma_start3A_165 : memref<128x32xf32, #tpu.memory_space<vmem>>) offsets(%dma_start3A_168 : memref<128xi32, #tpu.memory_space<vmem>>) semaphore(%arg12 : memref<!tpu.dma_semaphore, #tpu.memory_space<semaphore_mem>>)
      %dma_start3A_176 = arith.constant 1 : i32
      %dma_start3A_177 = arith.constant 128 : i32
      %dma_start3A_178 = arith.constant 0 : i32
      %dma_start3A_179 = tpu.memref_slice %arg8[%dma_start3A_177, %dma_start3A_178] : memref<512x32xf32, #tpu.memory_space<vmem>> -> memref<128x32xf32, #tpu.memory_space<vmem>>
      %dma_start3A_180 = arith.constant 0 : i32
      %dma_start3A_181 = tpu.memref_slice %arg6[%dma_start3A_176, %dma_start3A_180] : memref<4x128xi32, #tpu.memory_space<vmem>> -> memref<1x128xi32, #tpu.memory_space<vmem>>
      %dma_start3A_182 = tpu.memref_squeeze %dma_start3A_181 : memref<1x128xi32, #tpu.memory_space<vmem>> -> memref<128xi32, #tpu.memory_space<vmem>>
      %dma_start3A_183 = arith.constant 0 : i32
      %dma_start3A_184 = arith.constant 0 : i32
      %dma_start3A_185 = tpu.memref_slice %arg2[%add3A_97, %dma_start3A_183, %dma_start3A_184] : memref<26x100000x32xf32, #tpu.memory_space<hbm>> -> memref<1x100000x32xf32, #tpu.memory_space<hbm>>
      %dma_start3A_186 = tpu.memref_squeeze %dma_start3A_185 : memref<1x100000x32xf32, #tpu.memory_space<hbm>> -> memref<100000x32xf32, #tpu.memory_space<hbm>>
      %dma_start3A_187 = arith.constant 0 : i32
      %dma_start3A_188 = arith.constant 0 : i32
      %dma_start3A_189 = tpu.memref_slice %dma_start3A_186[%dma_start3A_187, %dma_start3A_188] : memref<100000x32xf32, #tpu.memory_space<hbm>> -> memref<100000x32xf32, #tpu.memory_space<hbm>>
      tpu.enqueue_indirect_dma source(%dma_start3A_189 : memref<100000x32xf32, #tpu.memory_space<hbm>>) target(%dma_start3A_179 : memref<128x32xf32, #tpu.memory_space<vmem>>) offsets(%dma_start3A_182 : memref<128xi32, #tpu.memory_space<vmem>>) semaphore(%arg12 : memref<!tpu.dma_semaphore, #tpu.memory_space<semaphore_mem>>)
      %dma_start3A_190 = arith.constant 2 : i32
      %dma_start3A_191 = arith.constant 256 : i32
      %dma_start3A_192 = arith.constant 0 : i32
      %dma_start3A_193 = tpu.memref_slice %arg8[%dma_start3A_191, %dma_start3A_192] : memref<512x32xf32, #tpu.memory_space<vmem>> -> memref<128x32xf32, #tpu.memory_space<vmem>>
      %dma_start3A_194 = arith.constant 0 : i32
      %dma_start3A_195 = tpu.memref_slice %arg6[%dma_start3A_190, %dma_start3A_194] : memref<4x128xi32, #tpu.memory_space<vmem>> -> memref<1x128xi32, #tpu.memory_space<vmem>>
      %dma_start3A_196 = tpu.memref_squeeze %dma_start3A_195 : memref<1x128xi32, #tpu.memory_space<vmem>> -> memref<128xi32, #tpu.memory_space<vmem>>
      %dma_start3A_197 = arith.constant 0 : i32
      %dma_start3A_198 = arith.constant 0 : i32
      %dma_start3A_199 = tpu.memref_slice %arg2[%add3A_97, %dma_start3A_197, %dma_start3A_198] : memref<26x100000x32xf32, #tpu.memory_space<hbm>> -> memref<1x100000x32xf32, #tpu.memory_space<hbm>>
      %dma_start3A_200 = tpu.memref_squeeze %dma_start3A_199 : memref<1x100000x32xf32, #tpu.memory_space<hbm>> -> memref<100000x32xf32, #tpu.memory_space<hbm>>
      %dma_start3A_201 = arith.constant 0 : i32
      %dma_start3A_202 = arith.constant 0 : i32
      %dma_start3A_203 = tpu.memref_slice %dma_start3A_200[%dma_start3A_201, %dma_start3A_202] : memref<100000x32xf32, #tpu.memory_space<hbm>> -> memref<100000x32xf32, #tpu.memory_space<hbm>>
      tpu.enqueue_indirect_dma source(%dma_start3A_203 : memref<100000x32xf32, #tpu.memory_space<hbm>>) target(%dma_start3A_193 : memref<128x32xf32, #tpu.memory_space<vmem>>) offsets(%dma_start3A_196 : memref<128xi32, #tpu.memory_space<vmem>>) semaphore(%arg12 : memref<!tpu.dma_semaphore, #tpu.memory_space<semaphore_mem>>)
      %dma_start3A_204 = arith.constant 3 : i32
      %dma_start3A_205 = arith.constant 384 : i32
      %dma_start3A_206 = arith.constant 0 : i32
      %dma_start3A_207 = tpu.memref_slice %arg8[%dma_start3A_205, %dma_start3A_206] : memref<512x32xf32, #tpu.memory_space<vmem>> -> memref<128x32xf32, #tpu.memory_space<vmem>>
      %dma_start3A_208 = arith.constant 0 : i32
      %dma_start3A_209 = tpu.memref_slice %arg6[%dma_start3A_204, %dma_start3A_208] : memref<4x128xi32, #tpu.memory_space<vmem>> -> memref<1x128xi32, #tpu.memory_space<vmem>>
      %dma_start3A_210 = tpu.memref_squeeze %dma_start3A_209 : memref<1x128xi32, #tpu.memory_space<vmem>> -> memref<128xi32, #tpu.memory_space<vmem>>
      %dma_start3A_211 = arith.constant 0 : i32
      %dma_start3A_212 = arith.constant 0 : i32
      %dma_start3A_213 = tpu.memref_slice %arg2[%add3A_97, %dma_start3A_211, %dma_start3A_212] : memref<26x100000x32xf32, #tpu.memory_space<hbm>> -> memref<1x100000x32xf32, #tpu.memory_space<hbm>>
      %dma_start3A_214 = tpu.memref_squeeze %dma_start3A_213 : memref<1x100000x32xf32, #tpu.memory_space<hbm>> -> memref<100000x32xf32, #tpu.memory_space<hbm>>
      %dma_start3A_215 = arith.constant 0 : i32
      %dma_start3A_216 = arith.constant 0 : i32
      %dma_start3A_217 = tpu.memref_slice %dma_start3A_214[%dma_start3A_215, %dma_start3A_216] : memref<100000x32xf32, #tpu.memory_space<hbm>> -> memref<100000x32xf32, #tpu.memory_space<hbm>>
      tpu.enqueue_indirect_dma source(%dma_start3A_217 : memref<100000x32xf32, #tpu.memory_space<hbm>>) target(%dma_start3A_207 : memref<128x32xf32, #tpu.memory_space<vmem>>) offsets(%dma_start3A_210 : memref<128xi32, #tpu.memory_space<vmem>>) semaphore(%arg12 : memref<!tpu.dma_semaphore, #tpu.memory_space<semaphore_mem>>)
      %mul3A_218 = arith.constant 32 : i32
      %mul3A_219 = arith.muli %mul3A_95, %mul3A_218 : i32
      %dma_start3A_220 = tpu.memref_slice %arg4[%mul3A_2, %mul3A_219] : memref<16384x832xf32, #tpu.memory_space<hbm>> -> memref<512x32xf32, #tpu.memory_space<hbm>>
      %dma_start3A_221 = tpu.memref_slice %arg4[%mul3A_2, %mul3A_219] : memref<16384x832xf32, #tpu.memory_space<hbm>> -> memref<512x32xf32, #tpu.memory_space<hbm>>
      tpu.enqueue_dma source(%arg7 : memref<512x32xf32, #tpu.memory_space<vmem>>) target(%dma_start3A_221 : memref<512x32xf32, #tpu.memory_space<hbm>>) target_semaphore(%arg13 : memref<!tpu.dma_semaphore, #tpu.memory_space<semaphore_mem>>)
      %lt3A = arith.constant 12 : i32
      %lt3A_222 = arith.cmpi slt, %scan3A_93, %lt3A : i32
      %convert_element_type3A_223 = arith.extui %lt3A_222 : i1 to i32
      %cond3A_224 = arith.constant 0 : i32
      %cond3A_225 = arith.cmpi ne, %convert_element_type3A_223, %cond3A_224 : i32
      scf.if %cond3A_225 {
        %add3A_295 = arith.constant 2 : i32
        %add3A_296 = arith.addi %mul3A_95, %add3A_295 : i32
        %dma_start3A_297 = arith.constant 0 : i32
        %dma_start3A_298 = tpu.memref_slice %arg3[%add3A_296, %mul3A_4, %dma_start3A_297] : memref<26x128x128xi32, #tpu.memory_space<hbm>> -> memref<1x4x128xi32, #tpu.memory_space<hbm>>
        %dma_start3A_299 = tpu.memref_squeeze %dma_start3A_298 : memref<1x4x128xi32, #tpu.memory_space<hbm>> -> memref<4x128xi32, #tpu.memory_space<hbm>>
        %dma_start3A_300 = arith.constant 0 : i32
        %dma_start3A_301 = tpu.memref_slice %arg3[%add3A_296, %mul3A_4, %dma_start3A_300] : memref<26x128x128xi32, #tpu.memory_space<hbm>> -> memref<1x4x128xi32, #tpu.memory_space<hbm>>
        %dma_start3A_302 = tpu.memref_squeeze %dma_start3A_301 : memref<1x4x128xi32, #tpu.memory_space<hbm>> -> memref<4x128xi32, #tpu.memory_space<hbm>>
        tpu.enqueue_dma source(%dma_start3A_302 : memref<4x128xi32, #tpu.memory_space<hbm>>) target(%arg5 : memref<4x128xi32, #tpu.memory_space<vmem>>) target_semaphore(%arg9 : memref<!tpu.dma_semaphore, #tpu.memory_space<semaphore_mem>>)
      } else {
      }
      %dma_wait3A_226 = arith.constant 0 : i32
      %dma_wait3A_227 = arith.constant 0 : i32
      %dma_wait3A_228 = arith.constant 0 : i32
      %dma_wait3A_229 = tpu.memref_slice %arg8[%dma_wait3A_227, %dma_wait3A_228] : memref<512x32xf32, #tpu.memory_space<vmem>> -> memref<128x32xf32, #tpu.memory_space<vmem>>
      %dma_wait3A_230 = arith.constant 0 : i32
      %dma_wait3A_231 = tpu.memref_slice %arg6[%dma_wait3A_226, %dma_wait3A_230] : memref<4x128xi32, #tpu.memory_space<vmem>> -> memref<1x128xi32, #tpu.memory_space<vmem>>
      %dma_wait3A_232 = tpu.memref_squeeze %dma_wait3A_231 : memref<1x128xi32, #tpu.memory_space<vmem>> -> memref<128xi32, #tpu.memory_space<vmem>>
      %dma_wait3A_233 = arith.constant 0 : i32
      %dma_wait3A_234 = arith.constant 0 : i32
      %dma_wait3A_235 = tpu.memref_slice %arg2[%add3A_97, %dma_wait3A_233, %dma_wait3A_234] : memref<26x100000x32xf32, #tpu.memory_space<hbm>> -> memref<1x100000x32xf32, #tpu.memory_space<hbm>>
      %dma_wait3A_236 = tpu.memref_squeeze %dma_wait3A_235 : memref<1x100000x32xf32, #tpu.memory_space<hbm>> -> memref<100000x32xf32, #tpu.memory_space<hbm>>
      %dma_wait3A_237 = arith.constant 0 : i32
      %dma_wait3A_238 = arith.constant 0 : i32
      %dma_wait3A_239 = tpu.memref_slice %dma_wait3A_236[%dma_wait3A_237, %dma_wait3A_238] : memref<100000x32xf32, #tpu.memory_space<hbm>> -> memref<100000x32xf32, #tpu.memory_space<hbm>>
      tpu.wait_indirect_dma semaphore(%arg12 : memref<!tpu.dma_semaphore, #tpu.memory_space<semaphore_mem>>) src(%dma_wait3A_239 : memref<100000x32xf32, #tpu.memory_space<hbm>>) dst(%dma_wait3A_229 : memref<128x32xf32, #tpu.memory_space<vmem>>)
      %dma_wait3A_240 = arith.constant 1 : i32
      %dma_wait3A_241 = arith.constant 128 : i32
      %dma_wait3A_242 = arith.constant 0 : i32
      %dma_wait3A_243 = tpu.memref_slice %arg8[%dma_wait3A_241, %dma_wait3A_242] : memref<512x32xf32, #tpu.memory_space<vmem>> -> memref<128x32xf32, #tpu.memory_space<vmem>>
      %dma_wait3A_244 = arith.constant 0 : i32
      %dma_wait3A_245 = tpu.memref_slice %arg6[%dma_wait3A_240, %dma_wait3A_244] : memref<4x128xi32, #tpu.memory_space<vmem>> -> memref<1x128xi32, #tpu.memory_space<vmem>>
      %dma_wait3A_246 = tpu.memref_squeeze %dma_wait3A_245 : memref<1x128xi32, #tpu.memory_space<vmem>> -> memref<128xi32, #tpu.memory_space<vmem>>
      %dma_wait3A_247 = arith.constant 0 : i32
      %dma_wait3A_248 = arith.constant 0 : i32
      %dma_wait3A_249 = tpu.memref_slice %arg2[%add3A_97, %dma_wait3A_247, %dma_wait3A_248] : memref<26x100000x32xf32, #tpu.memory_space<hbm>> -> memref<1x100000x32xf32, #tpu.memory_space<hbm>>
      %dma_wait3A_250 = tpu.memref_squeeze %dma_wait3A_249 : memref<1x100000x32xf32, #tpu.memory_space<hbm>> -> memref<100000x32xf32, #tpu.memory_space<hbm>>
      %dma_wait3A_251 = arith.constant 0 : i32
      %dma_wait3A_252 = arith.constant 0 : i32
      %dma_wait3A_253 = tpu.memref_slice %dma_wait3A_250[%dma_wait3A_251, %dma_wait3A_252] : memref<100000x32xf32, #tpu.memory_space<hbm>> -> memref<100000x32xf32, #tpu.memory_space<hbm>>
      tpu.wait_indirect_dma semaphore(%arg12 : memref<!tpu.dma_semaphore, #tpu.memory_space<semaphore_mem>>) src(%dma_wait3A_253 : memref<100000x32xf32, #tpu.memory_space<hbm>>) dst(%dma_wait3A_243 : memref<128x32xf32, #tpu.memory_space<vmem>>)
      %dma_wait3A_254 = arith.constant 2 : i32
      %dma_wait3A_255 = arith.constant 256 : i32
      %dma_wait3A_256 = arith.constant 0 : i32
      %dma_wait3A_257 = tpu.memref_slice %arg8[%dma_wait3A_255, %dma_wait3A_256] : memref<512x32xf32, #tpu.memory_space<vmem>> -> memref<128x32xf32, #tpu.memory_space<vmem>>
      %dma_wait3A_258 = arith.constant 0 : i32
      %dma_wait3A_259 = tpu.memref_slice %arg6[%dma_wait3A_254, %dma_wait3A_258] : memref<4x128xi32, #tpu.memory_space<vmem>> -> memref<1x128xi32, #tpu.memory_space<vmem>>
      %dma_wait3A_260 = tpu.memref_squeeze %dma_wait3A_259 : memref<1x128xi32, #tpu.memory_space<vmem>> -> memref<128xi32, #tpu.memory_space<vmem>>
      %dma_wait3A_261 = arith.constant 0 : i32
      %dma_wait3A_262 = arith.constant 0 : i32
      %dma_wait3A_263 = tpu.memref_slice %arg2[%add3A_97, %dma_wait3A_261, %dma_wait3A_262] : memref<26x100000x32xf32, #tpu.memory_space<hbm>> -> memref<1x100000x32xf32, #tpu.memory_space<hbm>>
      %dma_wait3A_264 = tpu.memref_squeeze %dma_wait3A_263 : memref<1x100000x32xf32, #tpu.memory_space<hbm>> -> memref<100000x32xf32, #tpu.memory_space<hbm>>
      %dma_wait3A_265 = arith.constant 0 : i32
      %dma_wait3A_266 = arith.constant 0 : i32
      %dma_wait3A_267 = tpu.memref_slice %dma_wait3A_264[%dma_wait3A_265, %dma_wait3A_266] : memref<100000x32xf32, #tpu.memory_space<hbm>> -> memref<100000x32xf32, #tpu.memory_space<hbm>>
      tpu.wait_indirect_dma semaphore(%arg12 : memref<!tpu.dma_semaphore, #tpu.memory_space<semaphore_mem>>) src(%dma_wait3A_267 : memref<100000x32xf32, #tpu.memory_space<hbm>>) dst(%dma_wait3A_257 : memref<128x32xf32, #tpu.memory_space<vmem>>)
      %dma_wait3A_268 = arith.constant 3 : i32
      %dma_wait3A_269 = arith.constant 384 : i32
      %dma_wait3A_270 = arith.constant 0 : i32
      %dma_wait3A_271 = tpu.memref_slice %arg8[%dma_wait3A_269, %dma_wait3A_270] : memref<512x32xf32, #tpu.memory_space<vmem>> -> memref<128x32xf32, #tpu.memory_space<vmem>>
      %dma_wait3A_272 = arith.constant 0 : i32
      %dma_wait3A_273 = tpu.memref_slice %arg6[%dma_wait3A_268, %dma_wait3A_272] : memref<4x128xi32, #tpu.memory_space<vmem>> -> memref<1x128xi32, #tpu.memory_space<vmem>>
      %dma_wait3A_274 = tpu.memref_squeeze %dma_wait3A_273 : memref<1x128xi32, #tpu.memory_space<vmem>> -> memref<128xi32, #tpu.memory_space<vmem>>
      %dma_wait3A_275 = arith.constant 0 : i32
      %dma_wait3A_276 = arith.constant 0 : i32
      %dma_wait3A_277 = tpu.memref_slice %arg2[%add3A_97, %dma_wait3A_275, %dma_wait3A_276] : memref<26x100000x32xf32, #tpu.memory_space<hbm>> -> memref<1x100000x32xf32, #tpu.memory_space<hbm>>
      %dma_wait3A_278 = tpu.memref_squeeze %dma_wait3A_277 : memref<1x100000x32xf32, #tpu.memory_space<hbm>> -> memref<100000x32xf32, #tpu.memory_space<hbm>>
      %dma_wait3A_279 = arith.constant 0 : i32
      %dma_wait3A_280 = arith.constant 0 : i32
      %dma_wait3A_281 = tpu.memref_slice %dma_wait3A_278[%dma_wait3A_279, %dma_wait3A_280] : memref<100000x32xf32, #tpu.memory_space<hbm>> -> memref<100000x32xf32, #tpu.memory_space<hbm>>
      tpu.wait_indirect_dma semaphore(%arg12 : memref<!tpu.dma_semaphore, #tpu.memory_space<semaphore_mem>>) src(%dma_wait3A_281 : memref<100000x32xf32, #tpu.memory_space<hbm>>) dst(%dma_wait3A_271 : memref<128x32xf32, #tpu.memory_space<vmem>>)
      %mul3A_282 = arith.constant 32 : i32
      %mul3A_283 = arith.muli %mul3A_95, %mul3A_282 : i32
      %dma_wait3A_284 = tpu.memref_slice %arg4[%mul3A_2, %mul3A_283] : memref<16384x832xf32, #tpu.memory_space<hbm>> -> memref<512x32xf32, #tpu.memory_space<hbm>>
      %dma_wait3A_285 = tpu.memref_slice %arg4[%mul3A_2, %mul3A_283] : memref<16384x832xf32, #tpu.memory_space<hbm>> -> memref<512x32xf32, #tpu.memory_space<hbm>>
      tpu.wait_dma2 semaphore(%arg13 : memref<!tpu.dma_semaphore, #tpu.memory_space<semaphore_mem>>) src(%arg7 : memref<512x32xf32, #tpu.memory_space<vmem>>) dst(%dma_wait3A_285 : memref<512x32xf32, #tpu.memory_space<hbm>>)
      %lt3A_286 = arith.constant 12 : i32
      %lt3A_287 = arith.cmpi slt, %scan3A_93, %lt3A_286 : i32
      %convert_element_type3A_288 = arith.extui %lt3A_287 : i1 to i32
      %cond3A_289 = arith.constant 0 : i32
      %cond3A_290 = arith.cmpi ne, %convert_element_type3A_288, %cond3A_289 : i32
      scf.if %cond3A_290 {
        %add3A_295 = arith.constant 2 : i32
        %add3A_296 = arith.addi %mul3A_95, %add3A_295 : i32
        %dma_wait3A_297 = arith.constant 0 : i32
        %dma_wait3A_298 = tpu.memref_slice %arg3[%add3A_296, %mul3A_4, %dma_wait3A_297] : memref<26x128x128xi32, #tpu.memory_space<hbm>> -> memref<1x4x128xi32, #tpu.memory_space<hbm>>
        %dma_wait3A_299 = tpu.memref_squeeze %dma_wait3A_298 : memref<1x4x128xi32, #tpu.memory_space<hbm>> -> memref<4x128xi32, #tpu.memory_space<hbm>>
        %dma_wait3A_300 = arith.constant 0 : i32
        %dma_wait3A_301 = tpu.memref_slice %arg3[%add3A_296, %mul3A_4, %dma_wait3A_300] : memref<26x128x128xi32, #tpu.memory_space<hbm>> -> memref<1x4x128xi32, #tpu.memory_space<hbm>>
        %dma_wait3A_302 = tpu.memref_squeeze %dma_wait3A_301 : memref<1x4x128xi32, #tpu.memory_space<hbm>> -> memref<4x128xi32, #tpu.memory_space<hbm>>
        tpu.wait_dma2 semaphore(%arg9 : memref<!tpu.dma_semaphore, #tpu.memory_space<semaphore_mem>>) src(%dma_wait3A_302 : memref<4x128xi32, #tpu.memory_space<hbm>>) dst(%arg5 : memref<4x128xi32, #tpu.memory_space<vmem>>)
        %add3A_303 = arith.constant 2 : i32
        %add3A_304 = arith.addi %mul3A_95, %add3A_303 : i32
        %dma_start3A_305 = arith.constant 0 : i32
        %dma_start3A_306 = arith.constant 0 : i32
        %dma_start3A_307 = arith.constant 0 : i32
        %dma_start3A_308 = tpu.memref_slice %arg7[%dma_start3A_306, %dma_start3A_307] : memref<512x32xf32, #tpu.memory_space<vmem>> -> memref<128x32xf32, #tpu.memory_space<vmem>>
        %dma_start3A_309 = arith.constant 0 : i32
        %dma_start3A_310 = tpu.memref_slice %arg5[%dma_start3A_305, %dma_start3A_309] : memref<4x128xi32, #tpu.memory_space<vmem>> -> memref<1x128xi32, #tpu.memory_space<vmem>>
        %dma_start3A_311 = tpu.memref_squeeze %dma_start3A_310 : memref<1x128xi32, #tpu.memory_space<vmem>> -> memref<128xi32, #tpu.memory_space<vmem>>
        %dma_start3A_312 = arith.constant 0 : i32
        %dma_start3A_313 = arith.constant 0 : i32
        %dma_start3A_314 = tpu.memref_slice %arg2[%add3A_304, %dma_start3A_312, %dma_start3A_313] : memref<26x100000x32xf32, #tpu.memory_space<hbm>> -> memref<1x100000x32xf32, #tpu.memory_space<hbm>>
        %dma_start3A_315 = tpu.memref_squeeze %dma_start3A_314 : memref<1x100000x32xf32, #tpu.memory_space<hbm>> -> memref<100000x32xf32, #tpu.memory_space<hbm>>
        %dma_start3A_316 = arith.constant 0 : i32
        %dma_start3A_317 = arith.constant 0 : i32
        %dma_start3A_318 = tpu.memref_slice %dma_start3A_315[%dma_start3A_316, %dma_start3A_317] : memref<100000x32xf32, #tpu.memory_space<hbm>> -> memref<100000x32xf32, #tpu.memory_space<hbm>>
        tpu.enqueue_indirect_dma source(%dma_start3A_318 : memref<100000x32xf32, #tpu.memory_space<hbm>>) target(%dma_start3A_308 : memref<128x32xf32, #tpu.memory_space<vmem>>) offsets(%dma_start3A_311 : memref<128xi32, #tpu.memory_space<vmem>>) semaphore(%arg11 : memref<!tpu.dma_semaphore, #tpu.memory_space<semaphore_mem>>)
        %dma_start3A_319 = arith.constant 1 : i32
        %dma_start3A_320 = arith.constant 128 : i32
        %dma_start3A_321 = arith.constant 0 : i32
        %dma_start3A_322 = tpu.memref_slice %arg7[%dma_start3A_320, %dma_start3A_321] : memref<512x32xf32, #tpu.memory_space<vmem>> -> memref<128x32xf32, #tpu.memory_space<vmem>>
        %dma_start3A_323 = arith.constant 0 : i32
        %dma_start3A_324 = tpu.memref_slice %arg5[%dma_start3A_319, %dma_start3A_323] : memref<4x128xi32, #tpu.memory_space<vmem>> -> memref<1x128xi32, #tpu.memory_space<vmem>>
        %dma_start3A_325 = tpu.memref_squeeze %dma_start3A_324 : memref<1x128xi32, #tpu.memory_space<vmem>> -> memref<128xi32, #tpu.memory_space<vmem>>
        %dma_start3A_326 = arith.constant 0 : i32
        %dma_start3A_327 = arith.constant 0 : i32
        %dma_start3A_328 = tpu.memref_slice %arg2[%add3A_304, %dma_start3A_326, %dma_start3A_327] : memref<26x100000x32xf32, #tpu.memory_space<hbm>> -> memref<1x100000x32xf32, #tpu.memory_space<hbm>>
        %dma_start3A_329 = tpu.memref_squeeze %dma_start3A_328 : memref<1x100000x32xf32, #tpu.memory_space<hbm>> -> memref<100000x32xf32, #tpu.memory_space<hbm>>
        %dma_start3A_330 = arith.constant 0 : i32
        %dma_start3A_331 = arith.constant 0 : i32
        %dma_start3A_332 = tpu.memref_slice %dma_start3A_329[%dma_start3A_330, %dma_start3A_331] : memref<100000x32xf32, #tpu.memory_space<hbm>> -> memref<100000x32xf32, #tpu.memory_space<hbm>>
        tpu.enqueue_indirect_dma source(%dma_start3A_332 : memref<100000x32xf32, #tpu.memory_space<hbm>>) target(%dma_start3A_322 : memref<128x32xf32, #tpu.memory_space<vmem>>) offsets(%dma_start3A_325 : memref<128xi32, #tpu.memory_space<vmem>>) semaphore(%arg11 : memref<!tpu.dma_semaphore, #tpu.memory_space<semaphore_mem>>)
        %dma_start3A_333 = arith.constant 2 : i32
        %dma_start3A_334 = arith.constant 256 : i32
        %dma_start3A_335 = arith.constant 0 : i32
        %dma_start3A_336 = tpu.memref_slice %arg7[%dma_start3A_334, %dma_start3A_335] : memref<512x32xf32, #tpu.memory_space<vmem>> -> memref<128x32xf32, #tpu.memory_space<vmem>>
        %dma_start3A_337 = arith.constant 0 : i32
        %dma_start3A_338 = tpu.memref_slice %arg5[%dma_start3A_333, %dma_start3A_337] : memref<4x128xi32, #tpu.memory_space<vmem>> -> memref<1x128xi32, #tpu.memory_space<vmem>>
        %dma_start3A_339 = tpu.memref_squeeze %dma_start3A_338 : memref<1x128xi32, #tpu.memory_space<vmem>> -> memref<128xi32, #tpu.memory_space<vmem>>
        %dma_start3A_340 = arith.constant 0 : i32
        %dma_start3A_341 = arith.constant 0 : i32
        %dma_start3A_342 = tpu.memref_slice %arg2[%add3A_304, %dma_start3A_340, %dma_start3A_341] : memref<26x100000x32xf32, #tpu.memory_space<hbm>> -> memref<1x100000x32xf32, #tpu.memory_space<hbm>>
        %dma_start3A_343 = tpu.memref_squeeze %dma_start3A_342 : memref<1x100000x32xf32, #tpu.memory_space<hbm>> -> memref<100000x32xf32, #tpu.memory_space<hbm>>
        %dma_start3A_344 = arith.constant 0 : i32
        %dma_start3A_345 = arith.constant 0 : i32
        %dma_start3A_346 = tpu.memref_slice %dma_start3A_343[%dma_start3A_344, %dma_start3A_345] : memref<100000x32xf32, #tpu.memory_space<hbm>> -> memref<100000x32xf32, #tpu.memory_space<hbm>>
        tpu.enqueue_indirect_dma source(%dma_start3A_346 : memref<100000x32xf32, #tpu.memory_space<hbm>>) target(%dma_start3A_336 : memref<128x32xf32, #tpu.memory_space<vmem>>) offsets(%dma_start3A_339 : memref<128xi32, #tpu.memory_space<vmem>>) semaphore(%arg11 : memref<!tpu.dma_semaphore, #tpu.memory_space<semaphore_mem>>)
        %dma_start3A_347 = arith.constant 3 : i32
        %dma_start3A_348 = arith.constant 384 : i32
        %dma_start3A_349 = arith.constant 0 : i32
        %dma_start3A_350 = tpu.memref_slice %arg7[%dma_start3A_348, %dma_start3A_349] : memref<512x32xf32, #tpu.memory_space<vmem>> -> memref<128x32xf32, #tpu.memory_space<vmem>>
        %dma_start3A_351 = arith.constant 0 : i32
        %dma_start3A_352 = tpu.memref_slice %arg5[%dma_start3A_347, %dma_start3A_351] : memref<4x128xi32, #tpu.memory_space<vmem>> -> memref<1x128xi32, #tpu.memory_space<vmem>>
        %dma_start3A_353 = tpu.memref_squeeze %dma_start3A_352 : memref<1x128xi32, #tpu.memory_space<vmem>> -> memref<128xi32, #tpu.memory_space<vmem>>
        %dma_start3A_354 = arith.constant 0 : i32
        %dma_start3A_355 = arith.constant 0 : i32
        %dma_start3A_356 = tpu.memref_slice %arg2[%add3A_304, %dma_start3A_354, %dma_start3A_355] : memref<26x100000x32xf32, #tpu.memory_space<hbm>> -> memref<1x100000x32xf32, #tpu.memory_space<hbm>>
        %dma_start3A_357 = tpu.memref_squeeze %dma_start3A_356 : memref<1x100000x32xf32, #tpu.memory_space<hbm>> -> memref<100000x32xf32, #tpu.memory_space<hbm>>
        %dma_start3A_358 = arith.constant 0 : i32
        %dma_start3A_359 = arith.constant 0 : i32
        %dma_start3A_360 = tpu.memref_slice %dma_start3A_357[%dma_start3A_358, %dma_start3A_359] : memref<100000x32xf32, #tpu.memory_space<hbm>> -> memref<100000x32xf32, #tpu.memory_space<hbm>>
        tpu.enqueue_indirect_dma source(%dma_start3A_360 : memref<100000x32xf32, #tpu.memory_space<hbm>>) target(%dma_start3A_350 : memref<128x32xf32, #tpu.memory_space<vmem>>) offsets(%dma_start3A_353 : memref<128xi32, #tpu.memory_space<vmem>>) semaphore(%arg11 : memref<!tpu.dma_semaphore, #tpu.memory_space<semaphore_mem>>)
        %add3A_361 = arith.constant 3 : i32
        %add3A_362 = arith.addi %mul3A_95, %add3A_361 : i32
        %dma_start3A_363 = arith.constant 0 : i32
        %dma_start3A_364 = tpu.memref_slice %arg3[%add3A_362, %mul3A_4, %dma_start3A_363] : memref<26x128x128xi32, #tpu.memory_space<hbm>> -> memref<1x4x128xi32, #tpu.memory_space<hbm>>
        %dma_start3A_365 = tpu.memref_squeeze %dma_start3A_364 : memref<1x4x128xi32, #tpu.memory_space<hbm>> -> memref<4x128xi32, #tpu.memory_space<hbm>>
        %dma_start3A_366 = arith.constant 0 : i32
        %dma_start3A_367 = tpu.memref_slice %arg3[%add3A_362, %mul3A_4, %dma_start3A_366] : memref<26x128x128xi32, #tpu.memory_space<hbm>> -> memref<1x4x128xi32, #tpu.memory_space<hbm>>
        %dma_start3A_368 = tpu.memref_squeeze %dma_start3A_367 : memref<1x4x128xi32, #tpu.memory_space<hbm>> -> memref<4x128xi32, #tpu.memory_space<hbm>>
        tpu.enqueue_dma source(%dma_start3A_368 : memref<4x128xi32, #tpu.memory_space<hbm>>) target(%arg6 : memref<4x128xi32, #tpu.memory_space<vmem>>) target_semaphore(%arg10 : memref<!tpu.dma_semaphore, #tpu.memory_space<semaphore_mem>>)
      } else {
      }
      %mul3A_291 = arith.constant 32 : i32
      %mul3A_292 = arith.muli %add3A_97, %mul3A_291 : i32
      %dma_start3A_293 = tpu.memref_slice %arg4[%mul3A_2, %mul3A_292] : memref<16384x832xf32, #tpu.memory_space<hbm>> -> memref<512x32xf32, #tpu.memory_space<hbm>>
      %dma_start3A_294 = tpu.memref_slice %arg4[%mul3A_2, %mul3A_292] : memref<16384x832xf32, #tpu.memory_space<hbm>> -> memref<512x32xf32, #tpu.memory_space<hbm>>
      tpu.enqueue_dma source(%arg8 : memref<512x32xf32, #tpu.memory_space<vmem>>) target(%dma_start3A_294 : memref<512x32xf32, #tpu.memory_space<hbm>>) target_semaphore(%arg14 : memref<!tpu.dma_semaphore, #tpu.memory_space<semaphore_mem>>)
    }
    %scan3A_88 = arith.constant 13 : i32
    %dma_wait3A_89 = arith.constant 800 : i32
    %dma_wait3A_90 = tpu.memref_slice %arg4[%mul3A_2, %dma_wait3A_89] : memref<16384x832xf32, #tpu.memory_space<hbm>> -> memref<512x32xf32, #tpu.memory_space<hbm>>
    %dma_wait3A_91 = arith.constant 800 : i32
    %dma_wait3A_92 = tpu.memref_slice %arg4[%mul3A_2, %dma_wait3A_91] : memref<16384x832xf32, #tpu.memory_space<hbm>> -> memref<512x32xf32, #tpu.memory_space<hbm>>
    tpu.wait_dma2 semaphore(%arg14 : memref<!tpu.dma_semaphore, #tpu.memory_space<semaphore_mem>>) src(%arg8 : memref<512x32xf32, #tpu.memory_space<vmem>>) dst(%dma_wait3A_92 : memref<512x32xf32, #tpu.memory_space<hbm>>)
    return
  }
}

module attributes {stable_mosaic.version = 14 : i64} {
  func.func @_tc_body(%arg0: i32, %arg1: memref<512x13xf32, #tpu.memory_space<vmem>>, %arg2: memref<512x832xf32, #tpu.memory_space<vmem>>, %arg3: memref<13x512xf32, #tpu.memory_space<vmem>>, %arg4: memref<832x512xf32, #tpu.memory_space<vmem>>, %arg5: memref<1x512xf32, #tpu.memory_space<vmem>>, %arg6: memref<512x256xf32, #tpu.memory_space<vmem>>, %arg7: memref<1x256xf32, #tpu.memory_space<vmem>>, %arg8: memref<1x256xf32, #tpu.memory_space<vmem>>, %arg9: memref<1x13xf32, #tpu.memory_space<vmem>>, %arg10: memref<1x832xf32, #tpu.memory_space<vmem>>, %arg11: memref<1x1xf32, #tpu.memory_space<vmem>>, %arg12: memref<512xf32, #tpu.memory_space<vmem>>) attributes {dimension_semantics = [#tpu.dimension_semantics<arbitrary>], iteration_bounds = array<i64: 32>, scalar_prefetch = 0 : i64, scratch_operands = 0 : i64, tpu.core_type = #tpu.core_type<tc>, window_params = [{transform_indices = @transform_0, window_bounds = array<i64: 512, 13>}, {transform_indices = @transform_1, window_bounds = array<i64: 512, 832>}, {pipeline_mode = #tpu.pipeline_mode<synchronous>, transform_indices = @transform_2, window_bounds = array<i64: 13, 512>}, {pipeline_mode = #tpu.pipeline_mode<synchronous>, transform_indices = @transform_3, window_bounds = array<i64: 832, 512>}, {pipeline_mode = #tpu.pipeline_mode<synchronous>, transform_indices = @transform_4, window_bounds = array<i64: 1, 512>}, {pipeline_mode = #tpu.pipeline_mode<synchronous>, transform_indices = @transform_5, window_bounds = array<i64: 512, 256>}, {pipeline_mode = #tpu.pipeline_mode<synchronous>, transform_indices = @transform_6, window_bounds = array<i64: 1, 256>}, {pipeline_mode = #tpu.pipeline_mode<synchronous>, transform_indices = @transform_7, window_bounds = array<i64: 1, 256>}, {pipeline_mode = #tpu.pipeline_mode<synchronous>, transform_indices = @transform_8, window_bounds = array<i64: 1, 13>}, {pipeline_mode = #tpu.pipeline_mode<synchronous>, transform_indices = @transform_9, window_bounds = array<i64: 1, 832>}, {pipeline_mode = #tpu.pipeline_mode<synchronous>, transform_indices = @transform_10, window_bounds = array<i64: 1, 1>}, {transform_indices = @transform_11, window_bounds = array<i64: 512>}]} {
    %get3A = arith.constant 0 : index
    %get3A_0 = arith.constant 0 : index
    %get3A_1 = vector.load %arg1[%get3A, %get3A_0] : memref<512x13xf32, #tpu.memory_space<vmem>>, vector<512x13xf32>
    %get3A_2 = arith.constant 0 : index
    %get3A_3 = arith.constant 0 : index
    %get3A_4 = vector.load %arg2[%get3A_2, %get3A_3] : memref<512x832xf32, #tpu.memory_space<vmem>>, vector<512x832xf32>
    %get3A_5 = arith.constant 0 : index
    %get3A_6 = arith.constant 0 : index
    %get3A_7 = vector.load %arg3[%get3A_5, %get3A_6] : memref<13x512xf32, #tpu.memory_space<vmem>>, vector<13x512xf32>
    %dot_general3A = arith.constant dense<0.000000e+00> : vector<512x512xf32>
    %dot_general3A_8 = tpu.matmul %get3A_1, %get3A_7, %dot_general3A {dimension_numbers = #tpu.dot_dimension_numbers<[1], [0], [0], [1], [0, 0, 1, 1], [], []>, transpose_lhs_hint = false} : vector<512x13xf32>, vector<13x512xf32>, vector<512x512xf32> -> vector<512x512xf32>
    %get3A_9 = arith.constant 0 : index
    %get3A_10 = arith.constant 0 : index
    %get3A_11 = vector.load %arg4[%get3A_9, %get3A_10] : memref<832x512xf32, #tpu.memory_space<vmem>>, vector<832x512xf32>
    %dot_general3A_12 = arith.constant dense<0.000000e+00> : vector<512x512xf32>
    %dot_general3A_13 = tpu.matmul %get3A_4, %get3A_11, %dot_general3A_12 {dimension_numbers = #tpu.dot_dimension_numbers<[1], [0], [0], [1], [0, 0, 1, 1], [], []>, transpose_lhs_hint = false} : vector<512x832xf32>, vector<832x512xf32>, vector<512x512xf32> -> vector<512x512xf32>
    %add3A = arith.addf %dot_general3A_8, %dot_general3A_13 : vector<512x512xf32>
    %get3A_14 = arith.constant 0 : index
    %get3A_15 = arith.constant 0 : index
    %get3A_16 = vector.load %arg5[%get3A_14, %get3A_15] : memref<1x512xf32, #tpu.memory_space<vmem>>, vector<1x512xf32>
    %add3A_17 = vector.broadcast %get3A_16 : vector<1x512xf32> to vector<512x512xf32>
    %add3A_18 = arith.addf %add3A, %add3A_17 : vector<512x512xf32>
    %max3A = arith.constant 0.000000e+00 : f32
    %max3A_19 = vector.broadcast %max3A : f32 to vector<512x512xf32>
    %max3A_20 = arith.maximumf %add3A_18, %max3A_19 : vector<512x512xf32>
    %get3A_21 = arith.constant 0 : index
    %get3A_22 = arith.constant 0 : index
    %get3A_23 = vector.load %arg6[%get3A_21, %get3A_22] : memref<512x256xf32, #tpu.memory_space<vmem>>, vector<512x256xf32>
    %dot_general3A_24 = arith.constant dense<0.000000e+00> : vector<512x256xf32>
    %dot_general3A_25 = tpu.matmul %max3A_20, %get3A_23, %dot_general3A_24 {dimension_numbers = #tpu.dot_dimension_numbers<[1], [0], [0], [1], [0, 0, 1, 1], [], []>, transpose_lhs_hint = false} : vector<512x512xf32>, vector<512x256xf32>, vector<512x256xf32> -> vector<512x256xf32>
    %get3A_26 = arith.constant 0 : index
    %get3A_27 = arith.constant 0 : index
    %get3A_28 = vector.load %arg7[%get3A_26, %get3A_27] : memref<1x256xf32, #tpu.memory_space<vmem>>, vector<1x256xf32>
    %add3A_29 = vector.broadcast %get3A_28 : vector<1x256xf32> to vector<512x256xf32>
    %add3A_30 = arith.addf %dot_general3A_25, %add3A_29 : vector<512x256xf32>
    %max3A_31 = arith.constant 0.000000e+00 : f32
    %max3A_32 = vector.broadcast %max3A_31 : f32 to vector<512x256xf32>
    %max3A_33 = arith.maximumf %add3A_30, %max3A_32 : vector<512x256xf32>
    %get3A_34 = arith.constant 0 : index
    %get3A_35 = arith.constant 0 : index
    %get3A_36 = vector.load %arg8[%get3A_34, %get3A_35] : memref<1x256xf32, #tpu.memory_space<vmem>>, vector<1x256xf32>
    %mul3A = vector.broadcast %get3A_36 : vector<1x256xf32> to vector<512x256xf32>
    %mul3A_37 = arith.mulf %max3A_33, %mul3A : vector<512x256xf32>
    %reduce_sum3A = arith.constant dense<0.000000e+00> : vector<512xf32>
    %reduce_sum3A_38 = vector.multi_reduction <add>, %mul3A_37, %reduce_sum3A [1] : vector<512x256xf32> to vector<512xf32>
    %get3A_39 = arith.constant 0 : index
    %get3A_40 = arith.constant 0 : index
    %get3A_41 = vector.load %arg9[%get3A_39, %get3A_40] : memref<1x13xf32, #tpu.memory_space<vmem>>, vector<1x13xf32>
    %mul3A_42 = vector.broadcast %get3A_41 : vector<1x13xf32> to vector<512x13xf32>
    %mul3A_43 = arith.mulf %get3A_1, %mul3A_42 : vector<512x13xf32>
    %reduce_sum3A_44 = arith.constant dense<0.000000e+00> : vector<512xf32>
    %reduce_sum3A_45 = vector.multi_reduction <add>, %mul3A_43, %reduce_sum3A_44 [1] : vector<512x13xf32> to vector<512xf32>
    %get3A_46 = arith.constant 0 : index
    %get3A_47 = arith.constant 0 : index
    %get3A_48 = vector.load %arg10[%get3A_46, %get3A_47] : memref<1x832xf32, #tpu.memory_space<vmem>>, vector<1x832xf32>
    %mul3A_49 = vector.broadcast %get3A_48 : vector<1x832xf32> to vector<512x832xf32>
    %mul3A_50 = arith.mulf %get3A_4, %mul3A_49 : vector<512x832xf32>
    %reduce_sum3A_51 = arith.constant dense<0.000000e+00> : vector<512xf32>
    %reduce_sum3A_52 = vector.multi_reduction <add>, %mul3A_50, %reduce_sum3A_51 [1] : vector<512x832xf32> to vector<512xf32>
    %add3A_53 = arith.addf %reduce_sum3A_45, %reduce_sum3A_52 : vector<512xf32>
    %iota3A = tpu.iota {dimensions = array<i32: 0>} : vector<832x32xi32>
    %iota3A_54 = tpu.iota {dimensions = array<i32: 1>} : vector<832x32xi32>
    %rem3A = arith.constant 32 : i32
    %rem3A_55 = vector.broadcast %rem3A : i32 to vector<832x32xi32>
    %rem3A_56 = arith.remsi %iota3A, %rem3A_55 : vector<832x32xi32>
    %eq3A = arith.cmpi eq, %rem3A_56, %iota3A_54 : vector<832x32xi32>
    %jit3A = arith.constant 1.000000e+00 : f32
    %jit3A_57 = arith.constant 0.000000e+00 : f32
    %broadcast_in_dim3A = vector.broadcast %jit3A : f32 to vector<832x32xf32>
    %broadcast_in_dim3A_58 = vector.broadcast %jit3A_57 : f32 to vector<832x32xf32>
    %select_n3A = arith.select %eq3A, %broadcast_in_dim3A, %broadcast_in_dim3A_58 : vector<832x32xi1>, vector<832x32xf32>
    %dot_general3A_59 = arith.constant dense<0.000000e+00> : vector<512x32xf32>
    %dot_general3A_60 = tpu.matmul %get3A_4, %select_n3A, %dot_general3A_59 {dimension_numbers = #tpu.dot_dimension_numbers<[1], [0], [0], [1], [0, 0, 1, 1], [], []>, transpose_lhs_hint = false} : vector<512x832xf32>, vector<832x32xf32>, vector<512x32xf32> -> vector<512x32xf32>
    %mul3A_61 = arith.mulf %dot_general3A_60, %dot_general3A_60 : vector<512x32xf32>
    %reduce_sum3A_62 = arith.constant dense<0.000000e+00> : vector<512xf32>
    %reduce_sum3A_63 = vector.multi_reduction <add>, %mul3A_61, %reduce_sum3A_62 [1] : vector<512x32xf32> to vector<512xf32>
    %mul3A_64 = arith.mulf %get3A_4, %get3A_4 : vector<512x832xf32>
    %reduce_sum3A_65 = arith.constant dense<0.000000e+00> : vector<512xf32>
    %reduce_sum3A_66 = vector.multi_reduction <add>, %mul3A_64, %reduce_sum3A_65 [1] : vector<512x832xf32> to vector<512xf32>
    %sub3A = arith.subf %reduce_sum3A_63, %reduce_sum3A_66 : vector<512xf32>
    %mul3A_67 = arith.constant 5.000000e-01 : f32
    %mul3A_68 = vector.broadcast %mul3A_67 : f32 to vector<512xf32>
    %mul3A_69 = arith.mulf %mul3A_68, %sub3A : vector<512xf32>
    %add3A_70 = arith.addf %add3A_53, %mul3A_69 : vector<512xf32>
    %add3A_71 = arith.addf %add3A_70, %reduce_sum3A_38 : vector<512xf32>
    %get3A_72 = arith.constant 0 : index
    %get3A_73 = arith.constant 0 : index
    %get3A_74 = vector.load %arg11[%get3A_72, %get3A_73] : memref<1x1xf32, #tpu.memory_space<vmem>>, vector<1x1xf32>
    %get3A_75 = vector.shape_cast %get3A_74 : vector<1x1xf32> to vector<1xf32>
    %add3A_76 = vector.broadcast %get3A_75 : vector<1xf32> to vector<512xf32>
    %add3A_77 = arith.addf %add3A_71, %add3A_76 : vector<512xf32>
    %logistic3A = arith.negf %add3A_77 : vector<512xf32>
    %logistic3A_78 = math.exp %logistic3A : vector<512xf32>
    %logistic3A_79 = arith.constant 1.000000e+00 : f32
    %logistic3A_80 = vector.broadcast %logistic3A_79 : f32 to vector<512xf32>
    %logistic3A_81 = arith.addf %logistic3A_80, %logistic3A_78 : vector<512xf32>
    %logistic3A_82 = arith.divf %logistic3A_80, %logistic3A_81 : vector<512xf32>
    %swap3A = arith.constant 0 : index
    %swap3A_83 = vector.load %arg12[%swap3A] : memref<512xf32, #tpu.memory_space<vmem>>, vector<512xf32>
    tpu.vector_store %arg12[%swap3A], %logistic3A_82 {strides = array<i32>} : memref<512xf32, #tpu.memory_space<vmem>>, vector<512xf32>,
    return
  }
  func.func @transform_0(%arg0: i32) -> (i32, i32) {
    %c0_i32 = arith.constant 0 : i32
    %c0_i32_0 = arith.constant 0 : i32
    return %arg0, %c0_i32 : i32, i32
  }
  func.func @transform_1(%arg0: i32) -> (i32, i32) {
    %c0_i32 = arith.constant 0 : i32
    %c0_i32_0 = arith.constant 0 : i32
    return %arg0, %c0_i32 : i32, i32
  }
  func.func @transform_2(%arg0: i32) -> (i32, i32) {
    %c0_i32 = arith.constant 0 : i32
    %c0_i32_0 = arith.constant 0 : i32
    %c0_i32_1 = arith.constant 0 : i32
    return %c0_i32, %c0_i32_0 : i32, i32
  }
  func.func @transform_3(%arg0: i32) -> (i32, i32) {
    %c0_i32 = arith.constant 0 : i32
    %c0_i32_0 = arith.constant 0 : i32
    %c0_i32_1 = arith.constant 0 : i32
    return %c0_i32, %c0_i32_0 : i32, i32
  }
  func.func @transform_4(%arg0: i32) -> (i32, i32) {
    %c0_i32 = arith.constant 0 : i32
    %c0_i32_0 = arith.constant 0 : i32
    %c0_i32_1 = arith.constant 0 : i32
    return %c0_i32, %c0_i32_0 : i32, i32
  }
  func.func @transform_5(%arg0: i32) -> (i32, i32) {
    %c0_i32 = arith.constant 0 : i32
    %c0_i32_0 = arith.constant 0 : i32
    %c0_i32_1 = arith.constant 0 : i32
    return %c0_i32, %c0_i32_0 : i32, i32
  }
  func.func @transform_6(%arg0: i32) -> (i32, i32) {
    %c0_i32 = arith.constant 0 : i32
    %c0_i32_0 = arith.constant 0 : i32
    %c0_i32_1 = arith.constant 0 : i32
    return %c0_i32, %c0_i32_0 : i32, i32
  }
  func.func @transform_7(%arg0: i32) -> (i32, i32) {
    %c0_i32 = arith.constant 0 : i32
    %c0_i32_0 = arith.constant 0 : i32
    %c0_i32_1 = arith.constant 0 : i32
    return %c0_i32, %c0_i32_0 : i32, i32
  }
  func.func @transform_8(%arg0: i32) -> (i32, i32) {
    %c0_i32 = arith.constant 0 : i32
    %c0_i32_0 = arith.constant 0 : i32
    %c0_i32_1 = arith.constant 0 : i32
    return %c0_i32, %c0_i32_0 : i32, i32
  }
  func.func @transform_9(%arg0: i32) -> (i32, i32) {
    %c0_i32 = arith.constant 0 : i32
    %c0_i32_0 = arith.constant 0 : i32
    %c0_i32_1 = arith.constant 0 : i32
    return %c0_i32, %c0_i32_0 : i32, i32
  }
  func.func @transform_10(%arg0: i32) -> (i32, i32) {
    %c0_i32 = arith.constant 0 : i32
    %c0_i32_0 = arith.constant 0 : i32
    %c0_i32_1 = arith.constant 0 : i32
    return %c0_i32, %c0_i32_0 : i32, i32
  }
  func.func @transform_11(%arg0: i32) -> i32 {
    %c0_i32 = arith.constant 0 : i32
    return %arg0 : i32
  }
}

</mosaic_0001>

<sc_bundles>
// kernel: kernel.4.cloned.1.call-start
scs
__scs_entry_jumppad:
0x0: {  	(pc) =	sbr.rel $0x88, $3  }
0x1: {  	(tag) =	ssettag $0x0;
	lr =	simm.s32 $0x1  }
0x2: {  	[smem:$0x3F96] =	sst lr;
	_ =	strace $0xD0000000  }
0x3: {  	_ = 	snop  }
0x4: {  	_ = 	snop  }
0x5: {  	_ = 	snop  }
0x6: {  	_ = 	snop  }
0x7: {  	_ = 	snop  }
__scs_overlays_trampoline_lowered:
0x8: {  	[smem:$0x3FA5] =	sst s0  }
0x9: {  	[smem:$0x3FA6] =	sst s1  }
0xa: {  	[smem:$0x3FA7] =	sst s2  }
0xb: {  	[smem:$0x3FA8] =	sst s3  }
0xc: {  	[smem:$0x3FA9] =	sst s4  }
0xd: {  	[smem:$0x3FAA] =	sst s5  }
0xe: {  	[smem:$0x3FAB] =	sst s6  }
0xf: {  	[smem:$0x3FAC] =	sst s7  }
0x10: {  	[smem:$0x3FAD] =	sst s8  }
0x11: {  	[smem:$0x3FAE] =	sst s9;
	s0 =	simm.s32 @!p0 $0x0  }
0x12: {  	s1 =	sld [smem:$0x3F94];
	s0 =	simm.s32 @p0 $0x1  }
0x13: {  	[smem:$0x3FAF] =	sst s0;
	s0 =	simm.s32 @!p1 $0x0  }
0x14: {  	s2 =	sld [smem:$0x3F93];
	s0 =	simm.s32 @p1 $0x1  }
0x15: {  	[smem:$0x3FB0] =	sst s0;
	s0 =	simm.s32 @!p2 $0x0  }
0x16: {  	s3 =	sld [smem:$0x3FDB];
	s0 =	simm.s32 @p2 $0x1  }
0x17: {  	s4 =	simm.s32 $0x1BF5;
	[smem:$0x3FB2] =	sst s0  }
0x18: {  	s0 =	sld [smem:$0x3F95];
	_ =	swait.ge [sflag:s4], $0x0  }
0x19: {  	s7 =	sld [smem:$0x3F96]  }
0x1a: {  	s8 =	sadd.s32 $0xFFFFE003, lr  }
0x1b: {  	s9 =	sadd.s32 $0xFFFFFEF7, lr;
	s5 =	simm.s32 $0xFFFFFFFF;
	p2 =	slt.u32 s8, $0xFFFFF086  }
0x1c: {  	p1 =	slt.u32 s9, $0xF7A;
	s5 =	simm.s32 @!p2 $0x0  }
0x1d: {  	s5 =	simm.s32 @p1 $0x1;
	p0 =	seq.s32 s7, s2  }
0x1e: {  	s7 =	smul.u32 @!p0 $0xF7A, s2;
	p2 =	seq.s32 @!p0 s5, $0x0  }
0x1f: {  	s9 =	smul.u32 $0xF7A, s1;
	s8 =	simm.s32 @!p0 $0x1BF5;
	p2 =	por !p2, p0  }
0x20: {  	[sflag:s8] =	ssyncset.s32 @!p0 $0xFFFFF086;
	s6 =	sadd.s32 @!p0 s3, s7;
	s7 =	simm.s32 @!p0 $0x108  }
0x21: {  	s3 =	sadd.s32 s3, s9;
	s6 =	sadd.s32 @!p0 $0x88, s6;
	s7 =	simm.s32 @p2 $0x1082  }
0x22: {  	[simem:s7], [sflag:s8] =	dma.local @!p0 [hbm:s6], $0xF7A  }
0x23: {  	s9 =	sor.u32 $0xD0000000, s2;
	s6 =	simm.s32 $0x108;
	_ =	swait.ge @!p0 [sflag:s8], $0x0  }
0x24: {  	s3 =	sadd.s32 $0x88, s3;
	s6 =	simm.s32 @!p1 $0x1082;
	[sflag:s4] =	ssyncset.s32 $0xFFFFF086  }
0x25: {  	[simem:s6], [sflag:s4] =	dma.local [hbm:s3], $0xF7A  }
0x26: {  	[smem:$0x3F96] =	sst s1;
	(tag) =	ssettag s2;
	_ =	strace s9  }
0x27: {  	s1 =	sld [smem:$0x3FA6]  }
0x28: {  	s2 =	sld [smem:$0x3FA7]  }
0x29: {  	s4 =	sld [smem:$0x3FA9]  }
0x2a: {  	p0 =	seq.s32 s5, $0x0;
	s5 =	sld [smem:$0x3FAA]  }
0x2b: {  	s6 =	sld [smem:$0x3FAB]  }
0x2c: {  	s7 =	sld [smem:$0x3FAC]  }
0x2d: {  	s3 =	simm.s32 $0x108;
	s8 =	sld [smem:$0x3FAD]  }
0x2e: {  	s3 =	simm.s32 @!p0 $0x1082;
	s9 =	sld [smem:$0x3FAE]  }
0x2f: {  	lr =	sadd.s32 s0, s3;
	s0 =	sld [smem:$0x3FA5]  }
0x30: {  	s3 =	sld [smem:$0x3FA8]  }
0x31: {  	[smem:$0x3FB1] =	sst s10  }
0x32: {  	s10 =	sld [smem:$0x3FAF];
	_ =	sdelay $0x3  }
0x33: {  	p0 =	seq.s32 s10, $0x1;
	s10 =	sld [smem:$0x3FB1];
	_ =	sdelay $0x3  }
0x34: {  	[smem:$0x3FB1] =	sst s10  }
0x35: {  	s10 =	sld [smem:$0x3FB0];
	_ =	sdelay $0x3  }
0x36: {  	p1 =	seq.s32 s10, $0x1;
	s10 =	sld [smem:$0x3FB1];
	_ =	sdelay $0x3  }
0x37: {  	[smem:$0x3FB1] =	sst s10  }
0x38: {  	s10 =	sld [smem:$0x3FB2]  }
0x39: {  	_ = 	snop;
	(pc) =	sbr.ind lr, $3  }
0x3a: {  	_ = 	snop  }
0x3b: {  	_ = 	snop  }
0x3c: {  	p2 =	seq.s32 s10, $0x1;
	s10 =	sld [smem:$0x3FB1]  }
0x3d: {  	_ =	shalt  }
0x3e: {  	_ =	shalt  }
0x3f: {  	_ =	shalt  }
0x40: {  	_ =	shalt  }
0x41: {  	_ =	shalt  }
0x42: {  	_ =	shalt  }
0x43: {  	_ =	shalt  }
0x44: {  	_ =	shalt  }
0x45: {  	_ =	shalt  }
0x46: {  	_ =	shalt  }
0x47: {  	_ =	shalt  }
0x48: {  	_ =	shalt  }
0x49: {  	_ =	shalt  }
0x4a: {  	_ =	shalt  }
0x4b: {  	_ =	shalt  }
0x4c: {  	_ =	shalt  }
0x4d: {  	_ =	shalt  }
0x4e: {  	_ =	shalt  }
0x4f: {  	_ =	shalt  }
0x50: {  	_ =	shalt  }
0x51: {  	_ =	shalt  }
0x52: {  	_ =	shalt  }
0x53: {  	_ =	shalt  }
0x54: {  	_ =	shalt  }
0x55: {  	_ =	shalt  }
0x56: {  	_ =	shalt  }
0x57: {  	_ =	shalt  }
0x58: {  	_ =	shalt  }
0x59: {  	_ =	shalt  }
0x5a: {  	_ =	shalt  }
0x5b: {  	_ =	shalt  }
0x5c: {  	_ =	shalt  }
0x5d: {  	_ =	shalt  }
0x5e: {  	_ =	shalt  }
0x5f: {  	_ =	shalt  }
0x60: {  	_ =	shalt  }
0x61: {  	_ =	shalt  }
0x62: {  	_ =	shalt  }
0x63: {  	_ =	shalt  }
0x64: {  	_ =	shalt  }
0x65: {  	_ =	shalt  }
0x66: {  	_ =	shalt  }
0x67: {  	_ =	shalt  }
0x68: {  	_ =	shalt  }
0x69: {  	_ =	shalt  }
0x6a: {  	_ =	shalt  }
0x6b: {  	_ =	shalt  }
0x6c: {  	_ =	shalt  }
0x6d: {  	_ =	shalt  }
0x6e: {  	_ =	shalt  }
0x6f: {  	_ =	shalt  }
0x70: {  	_ =	shalt  }
0x71: {  	_ =	shalt  }
0x72: {  	_ =	shalt  }
0x73: {  	_ =	shalt  }
0x74: {  	_ =	shalt  }
0x75: {  	_ =	shalt  }
0x76: {  	_ =	shalt  }
0x77: {  	_ =	shalt  }
0x78: {  	_ =	shalt  }
0x79: {  	_ =	shalt  }
0x7a: {  	_ =	shalt  }
0x7b: {  	_ =	shalt  }
0x7c: {  	_ =	shalt  }
0x7d: {  	_ =	shalt  }
0x7e: {  	_ =	shalt  }
0x7f: {  	_ =	shalt  }
0x80: {  	_ =	shalt  }
0x81: {  	_ =	shalt  }
0x82: {  	_ =	shalt  }
0x83: {  	_ =	shalt  }
0x84: {  	_ =	shalt  }
0x85: {  	_ =	shalt  }
0x86: {  	_ =	shalt  }
0x87: {  	_ =	shalt  }
.Lfunc_end0:
.L_simem_size_0:
called_computation_lowered:
.L_overlay_start_0:
0x88: {  	s2 =	sld [smem:$0x3FD9]  }
0x89: {  	s3 =	sld [smem:$0x3FFE];
	_ =	sdelay $0x1  }
0x8a: {  	s1 =	srdreg.scid  }
0x8b: {  	s0 =	sand.u32 $0x1, s1  }
0x8c: {  	s16 =	sshll.u32 s0, $0xA;
	s2 =	sadd.s32 s3, s2  }
0x8d: {  	s2 =	sadd.s32 s2, s16  }
0x8e: {  	[smem:$0x3FBD] =	sst s2  }
0x8f: {  	_ = 	snop  }
0x90: {  	(tm) =	ssettm $0x1  }
0x91: {  	s17 =	sld [smem:$0x3FFB];
	_ =	sdelay $0x3  }
0x92: {  	_ =	strace s17  }
0x93: {  	s2 =	sld [smem:$0x3FFC];
	_ =	sdelay $0x3  }
0x94: {  	_ =	strace s2  }
0x95: {  	s2 =	sld [smem:$0x3FFD];
	_ =	sdelay $0x3  }
0x96: {  	_ =	strace s2  }
0x97: {  	_ =	strace $0x8FFFFFFF  }
0x98: {  	s18 =	sld [smem:$0x3FDB];
	_ =	sdelay $0x1  }
0x99: {  	s19 =	simm.s32 $_scs_section_size  }
0x9a: {  	s4 =	simm.s32 $_size__tile_overlayer_lowered;
	s5 =	simm.s32 $_tile_overlayer_lowered  }
0x9b: {  	s22 =	simm.s32 $0x1BFF;
	s21 =	sshll.u32 s5, $0x1;
	s2 =	sadd.s32 s19, s18  }
0x9c: {  	s6 =	simm.s32 $0x0;
	s20 =	sshll.u32 s4, $0x1;
	s4 =	sadd.s32 s21, s2  }
0x9d: {  	[timem:s6], [sflag:s22] =	dma.local [hbm:s4], s20  }
0x9e: {  	_ =	swait.ge [sflag:s22], s20  }
0x9f: {  	s3 =	ssub.s32 $0x0, s20;
	[sflag:s22] =	ssyncset.done $0x0  }
0xa0: {  	[sflag:s22] =	ssyncadd.s32 s3;
	_ =	sdelay $0x1  }
0xa1: {  	s23 =	simm.s32 $0x1B8B  }
0xa2: {  	_ =	swait.ge [sflag:s23], $0x1  }
0xa3: {  	[sflag:s23] =	ssyncset.done $0x0  }
0xa4: {  	s25 =	simm.s32 $0x1B8E;
	s24 =	sld [smem:$0x3FFE];
	[sflag:s23] =	ssyncadd.s32 $0xFFFFFFFF  }
0xa5: {  	s26 =	simm.s32 $execute0_lowered;
	[smem:$0x3FD2] =	sst s25  }
0xa6: {  	s4 =	sshll.u32 s26, $0x1;
	_ =	strace $0x80000046;
	[dreg:$0x1] =	wrdreg $0xFFFFFFFF  }
0xa7: {  	s28 =	simm.s32 $_size_execute0_lowered;
	s2 =	sadd.s32 s2, s4;
	[dreg:$0x0] =	wrdreg $0x0  }
0xa8: {  	s4 =	sshll.u32 s28, $0x1;
	[dreg:$0x2] =	wrdreg s2  }
0xa9: {  	[dreg:$0x3] =	wrdreg s4  }
0xaa: {  	[dreg:$0x4] =	wrdreg $0xC0  }
0xab: {  	_ =	task [dreg:s6], $0x5FFFF  }
0xac: {  	[dreg:$0x1] =	wrdreg $0xFFFFFFFF  }
0xad: {  	[dreg:$0x0] =	wrdreg $0x60  }
0xae: {  	[dreg:$0x2] =	wrdreg s24  }
0xaf: {  	[dreg:$0x3] =	wrdreg $0x9  }
0xb0: {  	_ =	task.clear_ibuf [dreg:s6], $0x4FFFF;
	_ =	strace $0x90000046  }
0xb1: {  	s29 =	simm.s32 $0x9;
	_ =	strace $0x80000048  }
0xb2: {  	_ =	swait.ge [sflag:s29], $0x1  }
0xb3: {  	[sflag:s29] =	ssyncadd.s32 $0xFFFFFFFF  }
0xb4: {  	_ =	strace $0x90000048  }
0xb5: {  	_ =	sfence  }
0xb6: {  	s30 =	sld [smem:$0x0];
	_ =	sdelay $0x2  }
0xb7: {  	s31 =	sshll.u32 s1, $0xD;
	s1 =	sshrl.u32 s1, $0x2  }
0xb8: {  	s3 =	sand.u32 $0x4000, s31;
	s1 =	sadd.s32 s1, s30  }
0xb9: {  	s0 =	sor.u32 s3, s0;
	s1 =	sshll.u32 s1, $0x11  }
0xba: {  	s0 =	sor.u32 s1, s0  }
0xbb: {  	s0 =	sadd.s32 $0x8F2B, s0  }
0xbc: {  	[sflag:s0] =	ssyncadd.remote.s32 $0x1  }
0xbd: {  	_ =	sfence.sel $0xFFFF  }
0xbe: {  	[dreg:$0x0] =	wrdreg $0xFFFFFFFF;
	(pc) =	sbr.abs _section_cstart, $3  }
0xbf: {  	[dreg:$0x1] =	wrdreg $0xFFFFFFFF  }
0xc0: {  	_ =	task.clear_ibuf [dreg:s6], $0x2FFFF;
	_ =	strace $0x9FFFFFFF  }
0xc1: {  	(tm) =	ssettm $0x7FFFFFFF  }
tec
execute0_lowered:
.L_overlay_start_1:
0x0: {  	(tag) =	ssettag $0x1  }
0x1: {  	s0 =	rddreg [dreg:$0x0]  }
0x2: {  	s1 =	simm.s32 $0x0;
	s2 =	srdreg.scid;
	s14 =	stileid.u32  }
0x3: {  	s13 =	simm.s32 $0x80;
	s23 =	simm.s32 $0x280;
	s24 =	simm.s32 $0x5400  }
0x4: {  	s25 =	simm.s32 $0x300;
	s26 =	simm.s32 $0x6400;
	s29 =	simm.s32 $0x380  }
0x5: {  	s31 =	simm.s32 $0x7400;
	s28 =	simm.s32 $0x5;
	s30 =	simm.s32 $0x0  }
0x6: {  	[smem:$0x7FF] =	sst s1;
	s3 =	sadd.s32 $0x27AD800, s0;
	s4 =	sadd.s32 $0x1400, s0  }
0x7: {  	s0 =	sadd.s32 $0xE400, s0;
	_ =	strace $0x80000047;
	[dreg:$0x2] =	wrdreg s23  }
0x8: {  	s2 =	sand.u32 $0x1, s2;
	s6 =	sshll.u32 s14, $0x7;
	[dreg:$0x3] =	wrdreg s24  }
0x9: {  	s15 =	smul.u32 $0xD0000, s14;
	s9 =	sshll.u32 s14, $0xA;
	[dreg:$0x4] =	wrdreg s25  }
0xa: {  	s14 =	simm.s32 $0x400;
	s5 =	ssub.s32 $0x2, s2;
	[dreg:$0x5] =	wrdreg s26  }
0xb: {  	s7 =	sshll.u32 s2, $0x6;
	s10 =	sshll.u32 s2, $0x9;
	[dreg:$0x6] =	wrdreg s29  }
0xc: {  	s2 =	smul.u32 $0x68000, s2;
	s23 =	simm.s32 $0x4400;
	[dreg:$0x7] =	wrdreg s31  }
0xd: {  	s24 =	simm.s32 $0x20;
	s25 =	simm.s32 $0x340;
	s26 =	simm.s32 $0x4  }
0xe: {  	s8 =	sshrl.u32 s5, $0x1;
	s6 =	sor.u32 s7, s6;
	s17 =	sor.u32 s10, s9  }
0xf: {  	s8 =	ssub.s32 s5, s8;
	s16 =	sadd.s32 s4, s6;
	s9 =	sor.u32 $0xC000, s17  }
0x10: {  	s2 =	sadd.s32 s2, s15;
	s22 =	sor.u32 $0x8000, s17;
	[dreg:$0x8] =	wrdreg s16  }
0x11: {  	s1 =	sadd.s32 $0x800, s16;
	s18 =	smax.u32 s8, $0x1;
	[dreg:$0xb] =	wrdreg s22  }
0x12: {  	s19 =	sshrl.u32 s9, $0x3;
	s20 =	sor.u32 $0x20, s2;
	[dreg:$0x9] =	wrdreg s1  }
0x13: {  	s2 =	sshrl.u32 s2, $0x3;
	s22 =	simm.s32 $0x2;
	[dreg:$0xa] =	wrdreg s18  }
0x14: {  	s19 =	sadd.s32 s19, s4;
	s21 =	sshrl.u32 s20, $0x3;
	s6 =	sadd.s32 s2, s0  }
0x15: {  	s20 =	simm.s32 $0x200;
	s0 =	sadd.s32 s21, s0;
	s21 =	simm.s32 $0x3  }
.LBB2_1:
0x16: {  	s1 =	simm.s32 $0x0;
	s2 =	rddreg [dreg:$0x8];
	s10 =	simm.s32 $0x1  }
0x17: {  	[tilespmem:s1], [sflag:$0x1] =	stream.linear.gather [hbm4b:s2+s1], $0x200, $0x38;
	[tilespmem:$0x8400] =	vst v63  }
0x18: {  	_ =	swait.ge [sflag:s10], $0x200  }
0x19: {  	[sflag:s10] =	ssyncset.done $0x0  }
0x1a: {  	[sflag:s10] =	ssyncadd.s32 $0xFFFFFE00  }
0x1b: {  	[tilespmem:s14], [sflag:$0x3] =	stream.indirect.gather [hbm4b:s3+s13], $0x20, s1, s13, $0xb8;
	[tilespmem:$0x8400] =	vst v63  }
0x1c: {  	s11 =	simm.s32 $0x1400  }
0x1d: {  	[tilespmem:s11], [sflag:$0x3] =	stream.indirect.gather [hbm4b:s3+s13], $0x20, s13, s13, $0xb8;
	[tilespmem:$0x8400] =	vst v63  }
0x1e: {  	s12 =	simm.s32 $0x100;
	s5 =	simm.s32 $0x2400  }
0x1f: {  	[tilespmem:s5], [sflag:$0x3] =	stream.indirect.gather [hbm4b:s3+s13], $0x20, s12, s13, $0xb8;
	[tilespmem:$0x8400] =	vst v63  }
0x20: {  	s15 =	simm.s32 $0x180;
	s16 =	simm.s32 $0x3400  }
0x21: {  	[tilespmem:s16], [sflag:$0x3] =	stream.indirect.gather [hbm4b:s3+s13], $0x20, s15, s13, $0xb8;
	[tilespmem:$0x8400] =	vst v63  }
0x22: {  	s17 =	rddreg [dreg:$0x9]  }
0x23: {  	[tilespmem:s20], [sflag:$0x2] =	stream.linear.gather [hbm4b:s17+s1], $0x200, $0x38;
	[tilespmem:$0x8400] =	vst v63  }
0x24: {  	_ =	swait.ge [sflag:s21], $0x1000  }
0x25: {  	[sflag:s21] =	ssyncset.done $0x0  }
0x26: {  	[sflag:s21] =	ssyncadd.s32 $0xFFFFF000  }
0x27: {  	_ =	swait.ge [sflag:s21], $0x1000  }
0x28: {  	[sflag:s21] =	ssyncset.done $0x0  }
0x29: {  	[sflag:s21] =	ssyncadd.s32 $0xFFFFF000  }
0x2a: {  	_ =	swait.ge [sflag:s21], $0x1000  }
0x2b: {  	[sflag:s21] =	ssyncset.done $0x0  }
0x2c: {  	[sflag:s21] =	ssyncadd.s32 $0xFFFFF000  }
0x2d: {  	_ =	swait.ge [sflag:s21], $0x1000  }
0x2e: {  	p0 =	por $0x1, $0x1;
	[sflag:s21] =	ssyncset.done $0x0  }
0x2f: {  	s2 =	simm.s32 @!p0 $0x6;
	[sflag:s21] =	ssyncadd.s32 $0xFFFFF000  }
0x30: {  	_ =	swait.ge @!p0 [sflag:s2], $0x4000  }
0x31: {  	[sflag:s2] =	ssyncset.done @!p0 $0x0  }
0x32: {  	[sflag:s2] =	ssyncadd.s32 @!p0 $0xFFFFC000  }
0x33: {  	_ =	swait.ge [sflag:s22], $0x200  }
0x34: {  	s18 =	rddreg [dreg:$0x6]  }
0x35: {  	s7 =	rddreg [dreg:$0x4]  }
0x36: {  	s8 =	sadd.s32 $0x0, s3;
	p6 =	por $0x0, $0x0;
	s10 =	rddreg [dreg:$0x2]  }
0x37: {  	s31 =	smov.u32 s19;
	[sflag:s22] =	ssyncset.done $0x0;
	s11 =	rddreg [dreg:$0x3]  }
0x38: {  	s8 =	sadd.s32 $0x61A80, s8;
	s15 =	rddreg [dreg:$0x5];
	[sflag:s22] =	ssyncadd.s32 $0xFFFFFE00  }
0x39: {  	[tilespmem:s23], [sflag:$0x4] =	stream.indirect.gather [hbm4b:s8+s13], $0x20, s20, s13, $0xb8;
	[tilespmem:$0x8400] =	vst v63  }
0x3a: {  	s17 =	sadd.s32 $0x8, s6;
	p0 =	por p6, p6;
	s1 =	rddreg [dreg:$0xb]  }
0x3b: {  	[tilespmem:s11], [sflag:$0x4] =	stream.indirect.gather [hbm4b:s8+s13], $0x20, s10, s13, $0xb8;
	[tilespmem:$0x8400] =	vst v63  }
0x3c: {  	s2 =	simm.s32 $0x0;
	s29 =	rddreg [dreg:$0x7];
	s16 =	sadd.s32 $0x8000, s1  }
0x3d: {  	[tilespmem:s15], [sflag:$0x4] =	stream.indirect.gather [hbm4b:s8+s13], $0x20, s7, s13, $0xb8;
	[tilespmem:$0x8400] =	vst v63  }
0x3e: {  	s10 =	smov.u32 s6;
	s11 =	smov.u32 s0;
	s15 =	simm.s32 $0xC3500  }
0x3f: {  	[tilespmem:s29], [sflag:$0x4] =	stream.indirect.gather [hbm4b:s8+s13], $0x20, s18, s13, $0xb8;
	[tilespmem:$0x8400] =	vst v63  }
0x40: {  	s7 =	sshrl.u32 @!p0 s1, $0x3;
	s18 =	sadd.s32 $0x8, s0;
	s8 =	smov.u32 s19  }
.LBB2_2:
0x41: {  	[hbm4b:s10+s24] =	stream.strided.scatter [tilespmem:s14], [sflag:$0x5], $0x4000, s25, s24, $0x38;
	[tilespmem:$0x8400] =	vst v63  }
0x42: {  	s10 =	sadd.s32 @!p0 s4, s7;
	s7 =	simm.s32 @!p0 $0x0  }
0x43: {  	[tilespmem:s7], [sflag:$0x1] =	stream.linear.gather @!p0 [hbm4b:s10+s7], $0x200, $0x38;
	[tilespmem:$0x8400] =	vst v63  }
0x44: {  	_ =	swait.ge [sflag:s26], $0x1000  }
0x45: {  	[sflag:s26] =	ssyncset.done $0x0  }
0x46: {  	[sflag:s26] =	ssyncadd.s32 $0xFFFFF000  }
0x47: {  	_ =	swait.ge [sflag:s26], $0x1000  }
0x48: {  	[sflag:s26] =	ssyncset.done $0x0  }
0x49: {  	[sflag:s26] =	ssyncadd.s32 $0xFFFFF000  }
0x4a: {  	_ =	swait.ge [sflag:s26], $0x1000  }
0x4b: {  	[sflag:s26] =	ssyncset.done $0x0  }
0x4c: {  	[sflag:s26] =	ssyncadd.s32 $0xFFFFF000  }
0x4d: {  	_ =	swait.ge [sflag:s26], $0x1000  }
0x4e: {  	[sflag:s26] =	ssyncset.done $0x0  }
0x4f: {  	[sflag:s26] =	ssyncadd.s32 $0xFFFFF000  }
0x50: {  	_ =	swait.ge [sflag:s28], $0x4000  }
0x51: {  	[sflag:s28] =	ssyncset.done $0x0  }
0x52: {  	s1 =	simm.s32 @!p0 $0x1;
	[sflag:s28] =	ssyncadd.s32 $0xFFFFC000  }
0x53: {  	s5 =	smov.u32 s15;
	s12 =	sadd.s32 @!p0 s2, s3;
	_ =	swait.ge @!p0 [sflag:s1], $0x200  }
0x54: {  	s29 =	simm.s32 @!p0 $0x400;
	s2 =	smov.u32 s5;
	[sflag:s1] =	ssyncset.done @!p0 $0x0  }
0x55: {  	s5 =	simm.s32 @!p0 $0x80;
	[sflag:s1] =	ssyncadd.s32 @!p0 $0xFFFFFE00;
	s1 =	sadd.s32 @!p0 $0xC3500, s12  }
0x56: {  	[tilespmem:s29], [sflag:$0x3] =	stream.indirect.gather @!p0 [hbm4b:s1+s5], $0x20, s7, s5, $0xb8;
	[tilespmem:$0x8400] =	vst v63  }
0x57: {  	s12 =	simm.s32 @!p0 $0x1400  }
0x58: {  	[tilespmem:s12], [sflag:$0x3] =	stream.indirect.gather @!p0 [hbm4b:s1+s5], $0x20, s5, s5, $0xb8;
	[tilespmem:$0x8400] =	vst v63  }
0x59: {  	s29 =	simm.s32 @!p0 $0x2400;
	s12 =	simm.s32 @!p0 $0x100  }
0x5a: {  	[tilespmem:s29], [sflag:$0x3] =	stream.indirect.gather @!p0 [hbm4b:s1+s5], $0x20, s12, s5, $0xb8;
	[tilespmem:$0x8400] =	vst v63  }
0x5b: {  	s12 =	simm.s32 @!p0 $0x180;
	s29 =	simm.s32 @!p0 $0x3400  }
0x5c: {  	[tilespmem:s29], [sflag:$0x3] =	stream.indirect.gather @!p0 [hbm4b:s1+s5], $0x20, s12, s5, $0xb8;
	[tilespmem:$0x8400] =	vst v63  }
0x5d: {  	s1 =	simm.s32 @!p0 $0x200  }
0x5e: {  	[tilespmem:s1], [sflag:$0x2] =	stream.linear.gather @!p0 [hbm4b:s31+s7], $0x200, $0x38;
	[tilespmem:$0x8400] =	vst v63  }
0x5f: {  	_ = 	snop  }
0x60: {  	[hbm4b:s11+s24] =	stream.strided.scatter [tilespmem:s23], [sflag:$0x6], $0x4000, s25, s24, $0x38;
	[tilespmem:$0x8400] =	vst v63  }
0x61: {  	_ =	swait.ge [sflag:s21], $0x1000  }
0x62: {  	[sflag:s21] =	ssyncset.done $0x0  }
0x63: {  	[sflag:s21] =	ssyncadd.s32 $0xFFFFF000  }
0x64: {  	_ =	swait.ge [sflag:s21], $0x1000  }
0x65: {  	[sflag:s21] =	ssyncset.done $0x0  }
0x66: {  	[sflag:s21] =	ssyncadd.s32 $0xFFFFF000  }
0x67: {  	_ =	swait.ge [sflag:s21], $0x1000  }
0x68: {  	[sflag:s21] =	ssyncset.done $0x0  }
0x69: {  	[sflag:s21] =	ssyncadd.s32 $0xFFFFF000  }
0x6a: {  	p2 =	seq.s32 s15, $0x927C00;
	_ =	swait.ge [sflag:s21], $0x1000  }
0x6b: {  	p0 =	por p2, p2;
	p2 =	seq.s32 s2, $0x0;
	[sflag:s21] =	ssyncset.done $0x0  }
0x6c: {  	s1 =	simm.s32 @!p2 $0x6;
	[sflag:s21] =	ssyncadd.s32 $0xFFFFF000  }
0x6d: {  	_ =	swait.ge @!p2 [sflag:s1], $0x4000  }
0x6e: {  	[sflag:s1] =	ssyncset.done @!p2 $0x0  }
0x6f: {  	s15 =	sadd.s32 $0xC3500, s15;
	[sflag:s1] =	ssyncadd.s32 @!p2 $0xFFFFC000  }
0x70: {  	s8 =	sadd.s32 $0x1000, s8;
	p1 =	sne.s32 s15, $0x9EB100;
	_ =	swait.ge [sflag:s22], $0x200  }
0x71: {  	s29 =	sadd.s32 s2, s3;
	[sflag:s22] =	ssyncset.done $0x0;
	s1 =	rddreg [dreg:$0x6]  }
0x72: {  	s5 =	sadd.s32 $0x61A80, s29;
	s7 =	rddreg [dreg:$0x2];
	[sflag:s22] =	ssyncadd.s32 $0xFFFFFE00  }
0x73: {  	[tilespmem:s23], [sflag:$0x4] =	stream.indirect.gather [hbm4b:s5+s13], $0x20, s20, s13, $0xb8;
	[tilespmem:$0x8400] =	vst v63  }
0x74: {  	s10 =	smov.u32 s17;
	s17 =	sadd.s32 $0x8, s17;
	s29 =	rddreg [dreg:$0x3]  }
0x75: {  	[tilespmem:s29], [sflag:$0x4] =	stream.indirect.gather [hbm4b:s5+s13], $0x20, s7, s13, $0xb8;
	[tilespmem:$0x8400] =	vst v63  }
.Ltmp0:
0x76: {  	s31 =	smov.u32 s8;
	s12 =	rddreg [dreg:$0x4];
	(pc) =	sbr.rel @p1 .LBB2_2-.Ltmp0, $4  }
0x77: {  	s11 =	smov.u32 s18;
	s18 =	sadd.s32 $0x8, s18;
	s9 =	rddreg [dreg:$0x5]  }
0x78: {  	[tilespmem:s9], [sflag:$0x4] =	stream.indirect.gather [hbm4b:s5+s13], $0x20, s12, s13, $0xb8;
	[tilespmem:$0x8400] =	vst v63  }
0x79: {  	s29 =	rddreg [dreg:$0x7];
	s7 =	sshrl.u32 @!p0 s16, $0x3;
	s16 =	sadd.s32 $0x8000, s16  }
0x7a: {  	[tilespmem:s29], [sflag:$0x4] =	stream.indirect.gather [hbm4b:s5+s13], $0x20, s1, s13, $0xb8;
	[tilespmem:$0x8400] =	vst v63  }
0x7b: {  	[hbm4b:s10+s24] =	stream.strided.scatter [tilespmem:s14], [sflag:$0x5], $0x4000, s25, s24, $0x38;
	[tilespmem:$0x8400] =	vst v63  }
0x7c: {  	s1 =	sadd.s32 @!p0 s4, s7;
	s5 =	simm.s32 @!p0 $0x0  }
0x7d: {  	[tilespmem:s5], [sflag:$0x1] =	stream.linear.gather @!p0 [hbm4b:s1+s5], $0x200, $0x38;
	[tilespmem:$0x8400] =	vst v63  }
0x7e: {  	_ =	swait.ge [sflag:s26], $0x1000  }
0x7f: {  	[sflag:s26] =	ssyncset.done $0x0  }
0x80: {  	[sflag:s26] =	ssyncadd.s32 $0xFFFFF000  }
0x81: {  	_ =	swait.ge [sflag:s26], $0x1000  }
0x82: {  	[sflag:s26] =	ssyncset.done $0x0  }
0x83: {  	[sflag:s26] =	ssyncadd.s32 $0xFFFFF000  }
0x84: {  	_ =	swait.ge [sflag:s26], $0x1000  }
0x85: {  	[sflag:s26] =	ssyncset.done $0x0  }
0x86: {  	[sflag:s26] =	ssyncadd.s32 $0xFFFFF000  }
0x87: {  	_ =	swait.ge [sflag:s26], $0x1000  }
0x88: {  	[sflag:s26] =	ssyncset.done $0x0  }
0x89: {  	[sflag:s26] =	ssyncadd.s32 $0xFFFFF000  }
0x8a: {  	_ =	swait.ge [sflag:s28], $0x4000  }
0x8b: {  	[sflag:s28] =	ssyncset.done $0x0  }
0x8c: {  	s1 =	simm.s32 @!p0 $0x1;
	[sflag:s28] =	ssyncadd.s32 $0xFFFFC000  }
0x8d: {  	_ =	swait.ge @!p0 [sflag:s1], $0x200  }
0x8e: {  	s2 =	sadd.s32 @!p0 s2, s3;
	s7 =	simm.s32 @!p0 $0x80;
	[sflag:s1] =	ssyncset.done @!p0 $0x0  }
0x8f: {  	s8 =	simm.s32 @!p0 $0x400;
	[sflag:s1] =	ssyncadd.s32 @!p0 $0xFFFFFE00;
	s1 =	sadd.s32 @!p0 $0xC3500, s2  }
0x90: {  	[tilespmem:s8], [sflag:$0x3] =	stream.indirect.gather @!p0 [hbm4b:s1+s7], $0x20, s5, s7, $0xb8;
	[tilespmem:$0x8400] =	vst v63  }
0x91: {  	s2 =	simm.s32 @!p0 $0x1400  }
0x92: {  	[tilespmem:s2], [sflag:$0x3] =	stream.indirect.gather @!p0 [hbm4b:s1+s7], $0x20, s7, s7, $0xb8;
	[tilespmem:$0x8400] =	vst v63  }
0x93: {  	s8 =	simm.s32 @!p0 $0x2400;
	s2 =	simm.s32 @!p0 $0x100  }
0x94: {  	[tilespmem:s8], [sflag:$0x3] =	stream.indirect.gather @!p0 [hbm4b:s1+s7], $0x20, s2, s7, $0xb8;
	[tilespmem:$0x8400] =	vst v63  }
0x95: {  	s2 =	simm.s32 @!p0 $0x180;
	s8 =	simm.s32 @!p0 $0x3400  }
0x96: {  	[tilespmem:s8], [sflag:$0x3] =	stream.indirect.gather @!p0 [hbm4b:s1+s7], $0x20, s2, s7, $0xb8;
	[tilespmem:$0x8400] =	vst v63  }
0x97: {  	s1 =	simm.s32 @!p0 $0x200  }
0x98: {  	[tilespmem:s1], [sflag:$0x2] =	stream.linear.gather @!p0 [hbm4b:s31+s5], $0x200, $0x38;
	[tilespmem:$0x8400] =	vst v63  }
0x99: {  	s29 =	simm.s32 $0x6  }
0x9a: {  	[hbm4b:s11+s24] =	stream.strided.scatter [tilespmem:s23], [sflag:$0x6], $0x4000, s25, s24, $0x38;
	[tilespmem:$0x8400] =	vst v63  }
0x9b: {  	_ =	swait.ge [sflag:s29], $0x4000  }
0x9c: {  	s30 =	sadd.s32 $0x1, s30;
	s31 =	rddreg [dreg:$0xa]  }
0x9d: {  	p0 =	sne.s32 s30, s31  }
.Ltmp1:
0x9e: {  	_ = 	snop;
	(pc) =	sbr.rel @p0 .LBB2_1-.Ltmp1, $3  }
0x9f: {  	_ =	sdelay $0x1  }
0xa0: {  	[sflag:s29] =	ssyncset.done $0x0  }
0xa1: {  	[sflag:s29] =	ssyncadd.s32 $0xFFFFC000  }
0xa2: {  	_ =	sfence.sel $0x180000  }
0xa3: {  	[bflag:$0x0] =	sbarrier.arrive $0xFFFF  }
0xa4: {  	_ =	strace $0x90000047  }
0xa5: {  	s0 =	stileid.u32;
	[bflag:$0x2] =	sbarrier.arrive $0xFFFF  }
0xa6: {  	p0 =	sne.s32 s0, $0x0;
	s0 =	rddreg [dreg:$0x1]  }
0xa7: {  	s0 =	sadd.s32 @!p0 $0x100000, s0  }
0xa8: {  	[sflag:s0] =	ssyncadd.tile.s32 @!p0 $0x1;
	_ =	shalt  }
.Lfunc_end2:
_tile_overlayer_lowered:
.L_overlay_start_2:
0xa9: {  	(tag) =	ssettag $0x2  }
0xaa: {  	s0 =	rddreg [dreg:$0x0];
	s2 =	stileid.u32  }
0xab: {  	s1 =	rddreg [dreg:$0x1];
	p0 =	sne.s32 s2, $0x0  }
0xac: {  	s3 =	rddreg [dreg:$0x2];
	[bflag:$0x3] =	sbarrier.arrive $0xFFFF;
	s2 =	simm.s32 @!p0 $0x1C07  }
0xad: {  	[timem:s3], [sflag:s2] =	dma.local @!p0 [hbm:s0], s1  }
0xae: {  	s0 =	simm.s32 @!p0 $0x7  }
0xaf: {  	_ =	swait.ge @!p0 [sflag:s0], s1  }
0xb0: {  	s1 =	ssub.s32 @!p0 $0x0, s1;
	[sflag:s0] =	ssyncset.done @!p0 $0x0  }
0xb1: {  	[sflag:s0] =	ssyncadd.s32 @!p0 s1  }
0xb2: {  	[bflag:$0x3] =	sbarrier.arrive $0xFFFF  }
0xb3: {  	_ =	shalt  }

</sc_bundles>
